<compile_context>
chip_gen: v7x
topology: tpu7x:2x2x1
jax: 0.10.2.dev20260603
libtpu: 0.0.44.dev20260713+nightly
codegen_flags: <defaults>
</compile_context>

<pallas_src>
import functools

import jax
import jax.numpy as jnp
import numpy as np
from jax import lax
from jax.experimental import pallas as pl
from jax.experimental.pallas import tpu as pltpu
from jax.experimental.pallas import tpu_sc as plsc

_N = 10000
_E = 320000
_D = 128
_H = 128
_C = 64

_NC = 2
_NS = 16
_NW = _NC * _NS
_K = 128
_ECH0 = 80
_ECH1 = 80
_ECHM = max(_ECH0, _ECH1)
_E_CAP = (_ECH0 + _ECH1) * _NS * _K
_DCH = 79
_E_PAD = _DCH * _NW * _K
_RPT = 632
_N_PAD = _RPT * _NS
_BR = 2000


def _deg_body(dst_hbm, ones_hbm, zeros_hbm, out_hbm, dst_v, ones_v, acc):
    cid = lax.axis_index("c")
    sid = lax.axis_index("s")
    wid = cid * _NS + sid
    pltpu.sync_copy(zeros_hbm, acc.at[pl.ds(sid * _RPT, _RPT)])
    pltpu.sync_copy(dst_hbm.at[wid], dst_v)
    pltpu.sync_copy(ones_hbm, ones_v)
    plsc.subcore_barrier()

    def body(c, carry):
        pltpu.sync_copy(ones_v, acc.at[dst_v.at[c]], add=True)
        return carry

    lax.fori_loop(0, _DCH, body, 0)
    plsc.subcore_barrier()
    pltpu.sync_copy(acc.at[pl.ds(sid * _RPT, _RPT)],
                    out_hbm.at[cid, pl.ds(sid * _RPT, _RPT)])


_deg_call = pl.kernel(
    _deg_body,
    out_type=jax.ShapeDtypeStruct((_NC, _N_PAD, _D), jnp.float32),
    mesh=plsc.VectorSubcoreMesh(core_axis_name="c", subcore_axis_name="s"),
    scratch_types=[
        pltpu.VMEM((_DCH, _K), jnp.int32),
        pltpu.VMEM((_K, _D), jnp.float32),
        pltpu.VMEM_SHARED((_N_PAD, _D), jnp.float32),
    ],
)


def _msg_body(h_hbm, src_hbm, dst_hbm, zeros_hbm, out_hbm,
              src_v, dst_v, rows_v, acc, sem):
    cid = lax.axis_index("c")
    sid = lax.axis_index("s")
    wid = cid * _NS + sid
    pltpu.sync_copy(zeros_hbm, acc.at[pl.ds(sid * _RPT, _RPT)])
    pltpu.sync_copy(src_hbm.at[wid], src_v)
    pltpu.sync_copy(dst_hbm.at[wid], dst_v)
    plsc.subcore_barrier()

    def body(c, carry):
        pltpu.async_copy(h_hbm.at[src_v.at[c]], rows_v, sem).wait()
        pltpu.sync_copy(rows_v, acc.at[dst_v.at[c]], add=True)
        return carry

    lax.fori_loop(0, _ECHM, body, 0)
    plsc.subcore_barrier()
    pltpu.sync_copy(acc.at[pl.ds(sid * _RPT, _RPT)],
                    out_hbm.at[cid, pl.ds(sid * _RPT, _RPT)])


_msg_call = pl.kernel(
    _msg_body,
    out_type=jax.ShapeDtypeStruct((_NC, _N_PAD, _D), jnp.float32),
    mesh=plsc.VectorSubcoreMesh(core_axis_name="c", subcore_axis_name="s"),
    scratch_types=[
        pltpu.VMEM((_ECHM, _K), jnp.int32),
        pltpu.VMEM((_ECHM, _K), jnp.int32),
        pltpu.VMEM((_K, _D), jnp.float32),
        pltpu.VMEM_SHARED((_N_PAD, _D), jnp.float32),
        pltpu.SemaphoreType.DMA,
    ],
)


def _prep_body(degp_ref, x_ref, normb_ref, h0_ref):
    p = degp_ref[...]
    deg = p[0, :, 0] + p[1, :, 0]
    norm = lax.rsqrt(jnp.maximum(deg, 1.0))
    nb = jnp.broadcast_to(norm[:, None], (_BR, _D))
    normb_ref[...] = nb
    h0_ref[...] = x_ref[...] * nb


def _prep_call(degp, x):
    return pl.pallas_call(
        _prep_body,
        grid=(_N // _BR,),
        in_specs=[
            pl.BlockSpec((_NC, _BR, _D), lambda i: (0, i, 0)),
            pl.BlockSpec((_BR, _D), lambda i: (i, 0)),
        ],
        out_specs=[
            pl.BlockSpec((_BR, _D), lambda i: (i, 0)),
            pl.BlockSpec((_BR, _D), lambda i: (i, 0)),
        ],
        out_shape=[
            jax.ShapeDtypeStruct((_N, _D), jnp.float32),
            jax.ShapeDtypeStruct((_N, _D), jnp.float32),
        ],
    )(degp, x)


def _layer_body(mp_ref, normb_ref, w_ref, b_ref, out_ref, *, last):
    p = mp_ref[...]
    m = p[0] + p[1]
    h = m * normb_ref[...]
    y = jnp.dot(h, w_ref[...], preferred_element_type=jnp.float32)
    y = y + b_ref[...][None, :]
    if last:
        out_ref[...] = y
    else:
        out_ref[...] = jnp.maximum(y, 0.0) * normb_ref[...]


def _layer_call(mp, normb, w, b, last):
    wout = w.shape[1]
    return pl.pallas_call(
        functools.partial(_layer_body, last=last),
        grid=(_N // _BR,),
        in_specs=[
            pl.BlockSpec((_NC, _BR, _D), lambda i: (0, i, 0)),
            pl.BlockSpec((_BR, _D), lambda i: (i, 0)),
            pl.BlockSpec((_D, wout), lambda i: (0, 0)),
            pl.BlockSpec((wout,), lambda i: (0,)),
        ],
        out_specs=pl.BlockSpec((_BR, wout), lambda i: (i, 0)),
        out_shape=jax.ShapeDtypeStruct((_N, wout), jnp.float32),
    )(mp, normb, w, b)


def _chunk_split(v, fill):
    a0 = _NS * _ECH0 * _K
    a1 = _NS * _ECH1 * _K
    vp = jnp.concatenate([v, jnp.full((a0 + a1 - _E,), fill, jnp.int32)])
    v0 = vp[:a0].reshape(_NS, _ECH0, _K)
    v1 = vp[a0:].reshape(_NS, _ECH1, _K)
    if _ECH0 < _ECHM:
        v0 = jnp.concatenate(
            [v0, jnp.full((_NS, _ECHM - _ECH0, _K), fill, jnp.int32)], 1)
    if _ECH1 < _ECHM:
        v1 = jnp.concatenate(
            [v1, jnp.full((_NS, _ECHM - _ECH1, _K), fill, jnp.int32)], 1)
    return jnp.concatenate([v0, v1], 0)


def kernel(x, edge_index, W0, b0, W1, b1, W2, b2, W3, b3):
    src = edge_index[0]
    dst = edge_index[1]
    srcc = _chunk_split(src, 0)
    dstc = _chunk_split(dst, _N)
    padd = _E_PAD - _E
    dst3 = jnp.concatenate([dst, jnp.full((padd,), _N, jnp.int32)]).reshape(
        _NW, _DCH, _K)
    zeros_m = jnp.zeros((_RPT, _D), jnp.float32)
    ones_m = jnp.ones((_K, _D), jnp.float32)

    degp = _deg_call(dst3, ones_m, zeros_m)
    normb, h = _prep_call(degp, x)
    for w, b, last in ((W0, b0, False), (W1, b1, False),
                      (W2, b2, False), (W3, b3, True)):
        mp = _msg_call(h, srcc, dstc, zeros_m)
        h = _layer_call(mp, normb, w, b, last)
    return h

# --- scband reference (transcript-rebuilt; emitter-appended) ---
"""Pipeline reference for scband-gcn-16449724744842 (READ-ONLY COPY).

The authoritative reference and input builder live on the scoring server;
editing this copy changes nothing except your own understanding.
"""

import jax, jax.numpy as jnp
import numpy as np

N = 10000
E = 320000
D = 128
H = 128
C = 64


def setup_inputs(seed: int = 0) -> dict:
    key = jax.random.key(seed)
    ks = jax.random.split(key, 12)
    x = jax.random.normal(ks[0], (N, D), dtype=jnp.float32)
    edge_index = jax.random.randint(ks[1], (2, E), 0, N, dtype=jnp.int32)
    # GraphConv weights: layer0 in->hidden, layers1,2 hidden->hidden, layer3 hidden->classes
    W0 = jax.random.normal(ks[2], (D, H), dtype=jnp.float32) / np.sqrt(D)
    b0 = jnp.zeros((H,), dtype=jnp.float32)
    W1 = jax.random.normal(ks[3], (H, H), dtype=jnp.float32) / np.sqrt(H)
    b1 = jnp.zeros((H,), dtype=jnp.float32)
    W2 = jax.random.normal(ks[4], (H, H), dtype=jnp.float32) / np.sqrt(H)
    b2 = jnp.zeros((H,), dtype=jnp.float32)
    W3 = jax.random.normal(ks[5], (H, C), dtype=jnp.float32) / np.sqrt(H)
    b3 = jnp.zeros((C,), dtype=jnp.float32)
    return {"x": x, "edge_index": edge_index, "W0": W0, "b0": b0,
            "W1": W1, "b1": b1, "W2": W2, "b2": b2, "W3": W3, "b3": b3}


def reference(x, edge_index, W0, b0, W1, b1, W2, b2, W3, b3):
    src = edge_index[0]
    dst = edge_index[1]
    # symmetric ('both') normalization as in dgl.nn.GraphConv
    deg = jnp.zeros((N,), dtype=jnp.float32).at[dst].add(1.0)
    norm = jax.lax.rsqrt(jnp.clip(deg, 1.0, None))

    def conv(h, W, b, act):
        h = h * norm[:, None]
        m = jax.ops.segment_sum(h[src], dst, num_segments=N)
        h = m * norm[:, None]
        h = h @ W + b
        if act:
            h = jax.nn.relu(h)
        return h

    h = conv(x, W0, b0, True)   # dropout(p=0.3) is identity in eval mode
    h = conv(h, W1, b1, True)
    h = conv(h, W2, b2, True)
    h = conv(h, W3, b3, False)
    return h

if __name__ == "__main__":
    import jax
    _d = setup_inputs()
    print(jax.jit(kernel)(*tuple(_d.values())))

</pallas_src>

<mosaic_0001>
#map = affine_map<(d0, d1) -> (0, 0)>
#map1 = affine_map<(d0, d1) -> (0, 0, 0)>
module attributes {stable_mosaic.version = 14 : i64} {
  func.func @_msg_body(%arg0: i32, %arg1: i32, %arg2: memref<10000x128xf32, #tpu.memory_space<hbm>>, %arg3: memref<32x80x128xi32, #tpu.memory_space<hbm>>, %arg4: memref<32x80x128xi32, #tpu.memory_space<hbm>>, %arg5: memref<632x128xf32, #tpu.memory_space<hbm>>, %arg6: memref<2x10112x128xf32, #tpu.memory_space<hbm>>, %arg7: memref<80x128xi32, #tpu.memory_space<vmem>>, %arg8: memref<80x128xi32, #tpu.memory_space<vmem>>, %arg9: memref<128x128xf32, #tpu.memory_space<vmem>>, %arg10: memref<10112x128xf32, #tpu.memory_space<vmem_shared>>, %arg11: memref<!tpu.dma_semaphore, #tpu.memory_space<semaphore_mem>>) attributes {dimension_semantics = [#tpu.dimension_semantics<core_parallel>, #tpu.dimension_semantics<subcore_parallel>], iteration_bounds = array<i64: 2, 16>, scalar_prefetch = 0 : i64, scratch_operands = 5 : i64, tpu.core_type = #tpu.core_type<sc_vector_subcore>, window_params = [{transform_indices = #map}, {transform_indices = #map1}, {transform_indices = #map1}, {transform_indices = #map}, {transform_indices = #map1}]} {
    %mul3A = arith.constant 16 : i32
    %mul3A_0 = arith.muli %arg0, %mul3A : i32
    %add3A = arith.addi %mul3A_0, %arg1 : i32
    %mul3A_1 = arith.constant 632 : i32
    %mul3A_2 = arith.muli %arg1, %mul3A_1 : i32
    "tpu.region"() ({
      %run_scoped3A = tpu.sem_alloc : memref<!tpu.dma_semaphore, #tpu.memory_space<semaphore_mem>>
      %dma_start3A = arith.constant 0 : i32
      %dma_start3A_13 = tpu.memref_slice %arg10[%mul3A_2, %dma_start3A] : memref<10112x128xf32, #tpu.memory_space<vmem_shared>> -> memref<632x128xf32, #tpu.memory_space<vmem_shared>>
      tpu.enqueue_dma source(%arg5 : memref<632x128xf32, #tpu.memory_space<hbm>>) target(%dma_start3A_13 : memref<632x128xf32, #tpu.memory_space<vmem_shared>>) target_semaphore(%run_scoped3A : memref<!tpu.dma_semaphore, #tpu.memory_space<semaphore_mem>>)
      %dma_wait3A = arith.constant 0 : i32
      %dma_wait3A_14 = tpu.memref_slice %arg10[%mul3A_2, %dma_wait3A] : memref<10112x128xf32, #tpu.memory_space<vmem_shared>> -> memref<632x128xf32, #tpu.memory_space<vmem_shared>>
      tpu.wait_dma2 semaphore(%run_scoped3A : memref<!tpu.dma_semaphore, #tpu.memory_space<semaphore_mem>>) src(%arg5 : memref<632x128xf32, #tpu.memory_space<hbm>>) dst(%dma_wait3A_14 : memref<632x128xf32, #tpu.memory_space<vmem_shared>>)
      tpu.yield
    }) : () -> ()
    "tpu.region"() ({
      %run_scoped3A = tpu.sem_alloc : memref<!tpu.dma_semaphore, #tpu.memory_space<semaphore_mem>>
      %dma_start3A = arith.constant 0 : i32
      %dma_start3A_13 = arith.constant 0 : i32
      %dma_start3A_14 = tpu.memref_slice %arg3[%add3A, %dma_start3A, %dma_start3A_13] : memref<32x80x128xi32, #tpu.memory_space<hbm>> -> memref<1x80x128xi32, #tpu.memory_space<hbm>>
      %dma_start3A_15 = tpu.memref_squeeze %dma_start3A_14 : memref<1x80x128xi32, #tpu.memory_space<hbm>> -> memref<80x128xi32, #tpu.memory_space<hbm>>
      %dma_start3A_16 = arith.constant 0 : i32
      %dma_start3A_17 = arith.constant 0 : i32
      %dma_start3A_18 = tpu.memref_slice %arg3[%add3A, %dma_start3A_16, %dma_start3A_17] : memref<32x80x128xi32, #tpu.memory_space<hbm>> -> memref<1x80x128xi32, #tpu.memory_space<hbm>>
      %dma_start3A_19 = tpu.memref_squeeze %dma_start3A_18 : memref<1x80x128xi32, #tpu.memory_space<hbm>> -> memref<80x128xi32, #tpu.memory_space<hbm>>
      tpu.enqueue_dma source(%dma_start3A_19 : memref<80x128xi32, #tpu.memory_space<hbm>>) target(%arg7 : memref<80x128xi32, #tpu.memory_space<vmem>>) target_semaphore(%run_scoped3A : memref<!tpu.dma_semaphore, #tpu.memory_space<semaphore_mem>>)
      %dma_wait3A = arith.constant 0 : i32
      %dma_wait3A_20 = arith.constant 0 : i32
      %dma_wait3A_21 = tpu.memref_slice %arg3[%add3A, %dma_wait3A, %dma_wait3A_20] : memref<32x80x128xi32, #tpu.memory_space<hbm>> -> memref<1x80x128xi32, #tpu.memory_space<hbm>>
      %dma_wait3A_22 = tpu.memref_squeeze %dma_wait3A_21 : memref<1x80x128xi32, #tpu.memory_space<hbm>> -> memref<80x128xi32, #tpu.memory_space<hbm>>
      %dma_wait3A_23 = arith.constant 0 : i32
      %dma_wait3A_24 = arith.constant 0 : i32
      %dma_wait3A_25 = tpu.memref_slice %arg3[%add3A, %dma_wait3A_23, %dma_wait3A_24] : memref<32x80x128xi32, #tpu.memory_space<hbm>> -> memref<1x80x128xi32, #tpu.memory_space<hbm>>
      %dma_wait3A_26 = tpu.memref_squeeze %dma_wait3A_25 : memref<1x80x128xi32, #tpu.memory_space<hbm>> -> memref<80x128xi32, #tpu.memory_space<hbm>>
      tpu.wait_dma2 semaphore(%run_scoped3A : memref<!tpu.dma_semaphore, #tpu.memory_space<semaphore_mem>>) src(%dma_wait3A_26 : memref<80x128xi32, #tpu.memory_space<hbm>>) dst(%arg7 : memref<80x128xi32, #tpu.memory_space<vmem>>)
      tpu.yield
    }) : () -> ()
    "tpu.region"() ({
      %run_scoped3A = tpu.sem_alloc : memref<!tpu.dma_semaphore, #tpu.memory_space<semaphore_mem>>
      %dma_start3A = arith.constant 0 : i32
      %dma_start3A_13 = arith.constant 0 : i32
      %dma_start3A_14 = tpu.memref_slice %arg4[%add3A, %dma_start3A, %dma_start3A_13] : memref<32x80x128xi32, #tpu.memory_space<hbm>> -> memref<1x80x128xi32, #tpu.memory_space<hbm>>
      %dma_start3A_15 = tpu.memref_squeeze %dma_start3A_14 : memref<1x80x128xi32, #tpu.memory_space<hbm>> -> memref<80x128xi32, #tpu.memory_space<hbm>>
      %dma_start3A_16 = arith.constant 0 : i32
      %dma_start3A_17 = arith.constant 0 : i32
      %dma_start3A_18 = tpu.memref_slice %arg4[%add3A, %dma_start3A_16, %dma_start3A_17] : memref<32x80x128xi32, #tpu.memory_space<hbm>> -> memref<1x80x128xi32, #tpu.memory_space<hbm>>
      %dma_start3A_19 = tpu.memref_squeeze %dma_start3A_18 : memref<1x80x128xi32, #tpu.memory_space<hbm>> -> memref<80x128xi32, #tpu.memory_space<hbm>>
      tpu.enqueue_dma source(%dma_start3A_19 : memref<80x128xi32, #tpu.memory_space<hbm>>) target(%arg8 : memref<80x128xi32, #tpu.memory_space<vmem>>) target_semaphore(%run_scoped3A : memref<!tpu.dma_semaphore, #tpu.memory_space<semaphore_mem>>)
      %dma_wait3A = arith.constant 0 : i32
      %dma_wait3A_20 = arith.constant 0 : i32
      %dma_wait3A_21 = tpu.memref_slice %arg4[%add3A, %dma_wait3A, %dma_wait3A_20] : memref<32x80x128xi32, #tpu.memory_space<hbm>> -> memref<1x80x128xi32, #tpu.memory_space<hbm>>
      %dma_wait3A_22 = tpu.memref_squeeze %dma_wait3A_21 : memref<1x80x128xi32, #tpu.memory_space<hbm>> -> memref<80x128xi32, #tpu.memory_space<hbm>>
      %dma_wait3A_23 = arith.constant 0 : i32
      %dma_wait3A_24 = arith.constant 0 : i32
      %dma_wait3A_25 = tpu.memref_slice %arg4[%add3A, %dma_wait3A_23, %dma_wait3A_24] : memref<32x80x128xi32, #tpu.memory_space<hbm>> -> memref<1x80x128xi32, #tpu.memory_space<hbm>>
      %dma_wait3A_26 = tpu.memref_squeeze %dma_wait3A_25 : memref<1x80x128xi32, #tpu.memory_space<hbm>> -> memref<80x128xi32, #tpu.memory_space<hbm>>
      tpu.wait_dma2 semaphore(%run_scoped3A : memref<!tpu.dma_semaphore, #tpu.memory_space<semaphore_mem>>) src(%dma_wait3A_26 : memref<80x128xi32, #tpu.memory_space<hbm>>) dst(%arg8 : memref<80x128xi32, #tpu.memory_space<vmem>>)
      tpu.yield
    }) : () -> ()
    %barrier3A = arith.constant 0 : index
    tpu.barrier barrier_id(%barrier3A)
    %scan3A = arith.constant 0 : i32
    %scan3A_3 = arith.constant 0 : i32
    %scan3A_4 = arith.constant 80 : i32
    %scan3A_5 = arith.addi %scan3A_3, %scan3A_4 : i32
    %scan3A_6 = arith.constant 1 : i32
    scf.for %scan3A_13 = %scan3A_3 to %scan3A_5 step %scan3A_6  : i32 {
      %dma_start3A = arith.constant 0 : i32
      %dma_start3A_14 = tpu.memref_slice %arg7[%scan3A_13, %dma_start3A] : memref<80x128xi32, #tpu.memory_space<vmem>> -> memref<1x128xi32, #tpu.memory_space<vmem>>
      %dma_start3A_15 = tpu.memref_squeeze %dma_start3A_14 : memref<1x128xi32, #tpu.memory_space<vmem>> -> memref<128xi32, #tpu.memory_space<vmem>>
      %dma_start3A_16 = arith.constant 0 : i32
      %dma_start3A_17 = arith.constant 0 : i32
      %dma_start3A_18 = tpu.memref_slice %arg2[%dma_start3A_16, %dma_start3A_17] : memref<10000x128xf32, #tpu.memory_space<hbm>> -> memref<10000x128xf32, #tpu.memory_space<hbm>>
      tpu.enqueue_indirect_dma source(%dma_start3A_18 : memref<10000x128xf32, #tpu.memory_space<hbm>>) target(%arg9 : memref<128x128xf32, #tpu.memory_space<vmem>>) offsets(%dma_start3A_15 : memref<128xi32, #tpu.memory_space<vmem>>) semaphore(%arg11 : memref<!tpu.dma_semaphore, #tpu.memory_space<semaphore_mem>>)
      %dma_wait3A = arith.constant 0 : i32
      %dma_wait3A_19 = tpu.memref_slice %arg7[%scan3A_13, %dma_wait3A] : memref<80x128xi32, #tpu.memory_space<vmem>> -> memref<1x128xi32, #tpu.memory_space<vmem>>
      %dma_wait3A_20 = tpu.memref_squeeze %dma_wait3A_19 : memref<1x128xi32, #tpu.memory_space<vmem>> -> memref<128xi32, #tpu.memory_space<vmem>>
      %dma_wait3A_21 = arith.constant 0 : i32
      %dma_wait3A_22 = arith.constant 0 : i32
      %dma_wait3A_23 = tpu.memref_slice %arg2[%dma_wait3A_21, %dma_wait3A_22] : memref<10000x128xf32, #tpu.memory_space<hbm>> -> memref<10000x128xf32, #tpu.memory_space<hbm>>
      tpu.wait_indirect_dma semaphore(%arg11 : memref<!tpu.dma_semaphore, #tpu.memory_space<semaphore_mem>>) src(%dma_wait3A_23 : memref<10000x128xf32, #tpu.memory_space<hbm>>) dst(%arg9 : memref<128x128xf32, #tpu.memory_space<vmem>>)
      "tpu.region"() ({
        %run_scoped3A = tpu.sem_alloc : memref<!tpu.dma_semaphore, #tpu.memory_space<semaphore_mem>>
        %dma_start3A_24 = arith.constant 0 : i32
        %dma_start3A_25 = tpu.memref_slice %arg8[%scan3A_13, %dma_start3A_24] : memref<80x128xi32, #tpu.memory_space<vmem>> -> memref<1x128xi32, #tpu.memory_space<vmem>>
        %dma_start3A_26 = tpu.memref_squeeze %dma_start3A_25 : memref<1x128xi32, #tpu.memory_space<vmem>> -> memref<128xi32, #tpu.memory_space<vmem>>
        %dma_start3A_27 = arith.constant 0 : i32
        %dma_start3A_28 = arith.constant 0 : i32
        %dma_start3A_29 = tpu.memref_slice %arg10[%dma_start3A_27, %dma_start3A_28] : memref<10112x128xf32, #tpu.memory_space<vmem_shared>> -> memref<10112x128xf32, #tpu.memory_space<vmem_shared>>
        tpu.enqueue_indirect_dma source(%arg9 : memref<128x128xf32, #tpu.memory_space<vmem>>) target(%dma_start3A_29 : memref<10112x128xf32, #tpu.memory_space<vmem_shared>>) offsets(%dma_start3A_26 : memref<128xi32, #tpu.memory_space<vmem>>) semaphore(%run_scoped3A : memref<!tpu.dma_semaphore, #tpu.memory_space<semaphore_mem>>) {add = true}
        %dma_wait3A_30 = arith.constant 0 : i32
        %dma_wait3A_31 = tpu.memref_slice %arg8[%scan3A_13, %dma_wait3A_30] : memref<80x128xi32, #tpu.memory_space<vmem>> -> memref<1x128xi32, #tpu.memory_space<vmem>>
        %dma_wait3A_32 = tpu.memref_squeeze %dma_wait3A_31 : memref<1x128xi32, #tpu.memory_space<vmem>> -> memref<128xi32, #tpu.memory_space<vmem>>
        %dma_wait3A_33 = arith.constant 0 : i32
        %dma_wait3A_34 = arith.constant 0 : i32
        %dma_wait3A_35 = tpu.memref_slice %arg10[%dma_wait3A_33, %dma_wait3A_34] : memref<10112x128xf32, #tpu.memory_space<vmem_shared>> -> memref<10112x128xf32, #tpu.memory_space<vmem_shared>>
        tpu.wait_indirect_dma semaphore(%run_scoped3A : memref<!tpu.dma_semaphore, #tpu.memory_space<semaphore_mem>>) src(%arg9 : memref<128x128xf32, #tpu.memory_space<vmem>>) dst(%dma_wait3A_35 : memref<10112x128xf32, #tpu.memory_space<vmem_shared>>)
        tpu.yield
      }) : () -> ()
    }
    %scan3A_7 = arith.constant 80 : i32
    %barrier3A_8 = arith.constant 0 : index
    tpu.barrier barrier_id(%barrier3A_8)
    %mul3A_9 = arith.constant 632 : i32
    %mul3A_10 = arith.muli %arg1, %mul3A_9 : i32
    %mul3A_11 = arith.constant 632 : i32
    %mul3A_12 = arith.muli %arg1, %mul3A_11 : i32
    "tpu.region"() ({
      %run_scoped3A = tpu.sem_alloc : memref<!tpu.dma_semaphore, #tpu.memory_space<semaphore_mem>>
      %dma_start3A = arith.constant 0 : i32
      %dma_start3A_13 = tpu.memref_slice %arg6[%arg0, %mul3A_12, %dma_start3A] : memref<2x10112x128xf32, #tpu.memory_space<hbm>> -> memref<1x632x128xf32, #tpu.memory_space<hbm>>
      %dma_start3A_14 = tpu.memref_squeeze %dma_start3A_13 : memref<1x632x128xf32, #tpu.memory_space<hbm>> -> memref<632x128xf32, #tpu.memory_space<hbm>>
      %dma_start3A_15 = arith.constant 0 : i32
      %dma_start3A_16 = tpu.memref_slice %arg10[%mul3A_10, %dma_start3A_15] : memref<10112x128xf32, #tpu.memory_space<vmem_shared>> -> memref<632x128xf32, #tpu.memory_space<vmem_shared>>
      tpu.enqueue_dma source(%dma_start3A_16 : memref<632x128xf32, #tpu.memory_space<vmem_shared>>) target(%dma_start3A_14 : memref<632x128xf32, #tpu.memory_space<hbm>>) target_semaphore(%run_scoped3A : memref<!tpu.dma_semaphore, #tpu.memory_space<semaphore_mem>>)
      %dma_wait3A = arith.constant 0 : i32
      %dma_wait3A_17 = tpu.memref_slice %arg6[%arg0, %mul3A_12, %dma_wait3A] : memref<2x10112x128xf32, #tpu.memory_space<hbm>> -> memref<1x632x128xf32, #tpu.memory_space<hbm>>
      %dma_wait3A_18 = tpu.memref_squeeze %dma_wait3A_17 : memref<1x632x128xf32, #tpu.memory_space<hbm>> -> memref<632x128xf32, #tpu.memory_space<hbm>>
      %dma_wait3A_19 = arith.constant 0 : i32
      %dma_wait3A_20 = tpu.memref_slice %arg10[%mul3A_10, %dma_wait3A_19] : memref<10112x128xf32, #tpu.memory_space<vmem_shared>> -> memref<632x128xf32, #tpu.memory_space<vmem_shared>>
      tpu.wait_dma2 semaphore(%run_scoped3A : memref<!tpu.dma_semaphore, #tpu.memory_space<semaphore_mem>>) src(%dma_wait3A_20 : memref<632x128xf32, #tpu.memory_space<vmem_shared>>) dst(%dma_wait3A_18 : memref<632x128xf32, #tpu.memory_space<hbm>>)
      tpu.yield
    }) : () -> ()
    return
  }
}

#map = affine_map<(d0, d1) -> (0, 0)>
#map1 = affine_map<(d0, d1) -> (0, 0, 0)>
module attributes {stable_mosaic.version = 14 : i64} {
  func.func @_msg_body(%arg0: i32, %arg1: i32, %arg2: memref<10000x128xf32, #tpu.memory_space<hbm>>, %arg3: memref<32x80x128xi32, #tpu.memory_space<hbm>>, %arg4: memref<32x80x128xi32, #tpu.memory_space<hbm>>, %arg5: memref<632x128xf32, #tpu.memory_space<hbm>>, %arg6: memref<2x10112x128xf32, #tpu.memory_space<hbm>>, %arg7: memref<80x128xi32, #tpu.memory_space<vmem>>, %arg8: memref<80x128xi32, #tpu.memory_space<vmem>>, %arg9: memref<128x128xf32, #tpu.memory_space<vmem>>, %arg10: memref<10112x128xf32, #tpu.memory_space<vmem_shared>>, %arg11: memref<!tpu.dma_semaphore, #tpu.memory_space<semaphore_mem>>) attributes {dimension_semantics = [#tpu.dimension_semantics<core_parallel>, #tpu.dimension_semantics<subcore_parallel>], iteration_bounds = array<i64: 2, 16>, scalar_prefetch = 0 : i64, scratch_operands = 5 : i64, tpu.core_type = #tpu.core_type<sc_vector_subcore>, window_params = [{transform_indices = #map}, {transform_indices = #map1}, {transform_indices = #map1}, {transform_indices = #map}, {transform_indices = #map1}]} {
    %mul3A = arith.constant 16 : i32
    %mul3A_0 = arith.muli %arg0, %mul3A : i32
    %add3A = arith.addi %mul3A_0, %arg1 : i32
    %mul3A_1 = arith.constant 632 : i32
    %mul3A_2 = arith.muli %arg1, %mul3A_1 : i32
    "tpu.region"() ({
      %run_scoped3A = tpu.sem_alloc : memref<!tpu.dma_semaphore, #tpu.memory_space<semaphore_mem>>
      %dma_start3A = arith.constant 0 : i32
      %dma_start3A_13 = tpu.memref_slice %arg10[%mul3A_2, %dma_start3A] : memref<10112x128xf32, #tpu.memory_space<vmem_shared>> -> memref<632x128xf32, #tpu.memory_space<vmem_shared>>
      tpu.enqueue_dma source(%arg5 : memref<632x128xf32, #tpu.memory_space<hbm>>) target(%dma_start3A_13 : memref<632x128xf32, #tpu.memory_space<vmem_shared>>) target_semaphore(%run_scoped3A : memref<!tpu.dma_semaphore, #tpu.memory_space<semaphore_mem>>)
      %dma_wait3A = arith.constant 0 : i32
      %dma_wait3A_14 = tpu.memref_slice %arg10[%mul3A_2, %dma_wait3A] : memref<10112x128xf32, #tpu.memory_space<vmem_shared>> -> memref<632x128xf32, #tpu.memory_space<vmem_shared>>
      tpu.wait_dma2 semaphore(%run_scoped3A : memref<!tpu.dma_semaphore, #tpu.memory_space<semaphore_mem>>) src(%arg5 : memref<632x128xf32, #tpu.memory_space<hbm>>) dst(%dma_wait3A_14 : memref<632x128xf32, #tpu.memory_space<vmem_shared>>)
      tpu.yield
    }) : () -> ()
    "tpu.region"() ({
      %run_scoped3A = tpu.sem_alloc : memref<!tpu.dma_semaphore, #tpu.memory_space<semaphore_mem>>
      %dma_start3A = arith.constant 0 : i32
      %dma_start3A_13 = arith.constant 0 : i32
      %dma_start3A_14 = tpu.memref_slice %arg3[%add3A, %dma_start3A, %dma_start3A_13] : memref<32x80x128xi32, #tpu.memory_space<hbm>> -> memref<1x80x128xi32, #tpu.memory_space<hbm>>
      %dma_start3A_15 = tpu.memref_squeeze %dma_start3A_14 : memref<1x80x128xi32, #tpu.memory_space<hbm>> -> memref<80x128xi32, #tpu.memory_space<hbm>>
      %dma_start3A_16 = arith.constant 0 : i32
      %dma_start3A_17 = arith.constant 0 : i32
      %dma_start3A_18 = tpu.memref_slice %arg3[%add3A, %dma_start3A_16, %dma_start3A_17] : memref<32x80x128xi32, #tpu.memory_space<hbm>> -> memref<1x80x128xi32, #tpu.memory_space<hbm>>
      %dma_start3A_19 = tpu.memref_squeeze %dma_start3A_18 : memref<1x80x128xi32, #tpu.memory_space<hbm>> -> memref<80x128xi32, #tpu.memory_space<hbm>>
      tpu.enqueue_dma source(%dma_start3A_19 : memref<80x128xi32, #tpu.memory_space<hbm>>) target(%arg7 : memref<80x128xi32, #tpu.memory_space<vmem>>) target_semaphore(%run_scoped3A : memref<!tpu.dma_semaphore, #tpu.memory_space<semaphore_mem>>)
      %dma_wait3A = arith.constant 0 : i32
      %dma_wait3A_20 = arith.constant 0 : i32
      %dma_wait3A_21 = tpu.memref_slice %arg3[%add3A, %dma_wait3A, %dma_wait3A_20] : memref<32x80x128xi32, #tpu.memory_space<hbm>> -> memref<1x80x128xi32, #tpu.memory_space<hbm>>
      %dma_wait3A_22 = tpu.memref_squeeze %dma_wait3A_21 : memref<1x80x128xi32, #tpu.memory_space<hbm>> -> memref<80x128xi32, #tpu.memory_space<hbm>>
      %dma_wait3A_23 = arith.constant 0 : i32
      %dma_wait3A_24 = arith.constant 0 : i32
      %dma_wait3A_25 = tpu.memref_slice %arg3[%add3A, %dma_wait3A_23, %dma_wait3A_24] : memref<32x80x128xi32, #tpu.memory_space<hbm>> -> memref<1x80x128xi32, #tpu.memory_space<hbm>>
      %dma_wait3A_26 = tpu.memref_squeeze %dma_wait3A_25 : memref<1x80x128xi32, #tpu.memory_space<hbm>> -> memref<80x128xi32, #tpu.memory_space<hbm>>
      tpu.wait_dma2 semaphore(%run_scoped3A : memref<!tpu.dma_semaphore, #tpu.memory_space<semaphore_mem>>) src(%dma_wait3A_26 : memref<80x128xi32, #tpu.memory_space<hbm>>) dst(%arg7 : memref<80x128xi32, #tpu.memory_space<vmem>>)
      tpu.yield
    }) : () -> ()
    "tpu.region"() ({
      %run_scoped3A = tpu.sem_alloc : memref<!tpu.dma_semaphore, #tpu.memory_space<semaphore_mem>>
      %dma_start3A = arith.constant 0 : i32
      %dma_start3A_13 = arith.constant 0 : i32
      %dma_start3A_14 = tpu.memref_slice %arg4[%add3A, %dma_start3A, %dma_start3A_13] : memref<32x80x128xi32, #tpu.memory_space<hbm>> -> memref<1x80x128xi32, #tpu.memory_space<hbm>>
      %dma_start3A_15 = tpu.memref_squeeze %dma_start3A_14 : memref<1x80x128xi32, #tpu.memory_space<hbm>> -> memref<80x128xi32, #tpu.memory_space<hbm>>
      %dma_start3A_16 = arith.constant 0 : i32
      %dma_start3A_17 = arith.constant 0 : i32
      %dma_start3A_18 = tpu.memref_slice %arg4[%add3A, %dma_start3A_16, %dma_start3A_17] : memref<32x80x128xi32, #tpu.memory_space<hbm>> -> memref<1x80x128xi32, #tpu.memory_space<hbm>>
      %dma_start3A_19 = tpu.memref_squeeze %dma_start3A_18 : memref<1x80x128xi32, #tpu.memory_space<hbm>> -> memref<80x128xi32, #tpu.memory_space<hbm>>
      tpu.enqueue_dma source(%dma_start3A_19 : memref<80x128xi32, #tpu.memory_space<hbm>>) target(%arg8 : memref<80x128xi32, #tpu.memory_space<vmem>>) target_semaphore(%run_scoped3A : memref<!tpu.dma_semaphore, #tpu.memory_space<semaphore_mem>>)
      %dma_wait3A = arith.constant 0 : i32
      %dma_wait3A_20 = arith.constant 0 : i32
      %dma_wait3A_21 = tpu.memref_slice %arg4[%add3A, %dma_wait3A, %dma_wait3A_20] : memref<32x80x128xi32, #tpu.memory_space<hbm>> -> memref<1x80x128xi32, #tpu.memory_space<hbm>>
      %dma_wait3A_22 = tpu.memref_squeeze %dma_wait3A_21 : memref<1x80x128xi32, #tpu.memory_space<hbm>> -> memref<80x128xi32, #tpu.memory_space<hbm>>
      %dma_wait3A_23 = arith.constant 0 : i32
      %dma_wait3A_24 = arith.constant 0 : i32
      %dma_wait3A_25 = tpu.memref_slice %arg4[%add3A, %dma_wait3A_23, %dma_wait3A_24] : memref<32x80x128xi32, #tpu.memory_space<hbm>> -> memref<1x80x128xi32, #tpu.memory_space<hbm>>
      %dma_wait3A_26 = tpu.memref_squeeze %dma_wait3A_25 : memref<1x80x128xi32, #tpu.memory_space<hbm>> -> memref<80x128xi32, #tpu.memory_space<hbm>>
      tpu.wait_dma2 semaphore(%run_scoped3A : memref<!tpu.dma_semaphore, #tpu.memory_space<semaphore_mem>>) src(%dma_wait3A_26 : memref<80x128xi32, #tpu.memory_space<hbm>>) dst(%arg8 : memref<80x128xi32, #tpu.memory_space<vmem>>)
      tpu.yield
    }) : () -> ()
    %barrier3A = arith.constant 0 : index
    tpu.barrier barrier_id(%barrier3A)
    %scan3A = arith.constant 0 : i32
    %scan3A_3 = arith.constant 0 : i32
    %scan3A_4 = arith.constant 80 : i32
    %scan3A_5 = arith.addi %scan3A_3, %scan3A_4 : i32
    %scan3A_6 = arith.constant 1 : i32
    scf.for %scan3A_13 = %scan3A_3 to %scan3A_5 step %scan3A_6  : i32 {
      %dma_start3A = arith.constant 0 : i32
      %dma_start3A_14 = tpu.memref_slice %arg7[%scan3A_13, %dma_start3A] : memref<80x128xi32, #tpu.memory_space<vmem>> -> memref<1x128xi32, #tpu.memory_space<vmem>>
      %dma_start3A_15 = tpu.memref_squeeze %dma_start3A_14 : memref<1x128xi32, #tpu.memory_space<vmem>> -> memref<128xi32, #tpu.memory_space<vmem>>
      %dma_start3A_16 = arith.constant 0 : i32
      %dma_start3A_17 = arith.constant 0 : i32
      %dma_start3A_18 = tpu.memref_slice %arg2[%dma_start3A_16, %dma_start3A_17] : memref<10000x128xf32, #tpu.memory_space<hbm>> -> memref<10000x128xf32, #tpu.memory_space<hbm>>
      tpu.enqueue_indirect_dma source(%dma_start3A_18 : memref<10000x128xf32, #tpu.memory_space<hbm>>) target(%arg9 : memref<128x128xf32, #tpu.memory_space<vmem>>) offsets(%dma_start3A_15 : memref<128xi32, #tpu.memory_space<vmem>>) semaphore(%arg11 : memref<!tpu.dma_semaphore, #tpu.memory_space<semaphore_mem>>)
      %dma_wait3A = arith.constant 0 : i32
      %dma_wait3A_19 = tpu.memref_slice %arg7[%scan3A_13, %dma_wait3A] : memref<80x128xi32, #tpu.memory_space<vmem>> -> memref<1x128xi32, #tpu.memory_space<vmem>>
      %dma_wait3A_20 = tpu.memref_squeeze %dma_wait3A_19 : memref<1x128xi32, #tpu.memory_space<vmem>> -> memref<128xi32, #tpu.memory_space<vmem>>
      %dma_wait3A_21 = arith.constant 0 : i32
      %dma_wait3A_22 = arith.constant 0 : i32
      %dma_wait3A_23 = tpu.memref_slice %arg2[%dma_wait3A_21, %dma_wait3A_22] : memref<10000x128xf32, #tpu.memory_space<hbm>> -> memref<10000x128xf32, #tpu.memory_space<hbm>>
      tpu.wait_indirect_dma semaphore(%arg11 : memref<!tpu.dma_semaphore, #tpu.memory_space<semaphore_mem>>) src(%dma_wait3A_23 : memref<10000x128xf32, #tpu.memory_space<hbm>>) dst(%arg9 : memref<128x128xf32, #tpu.memory_space<vmem>>)
      "tpu.region"() ({
        %run_scoped3A = tpu.sem_alloc : memref<!tpu.dma_semaphore, #tpu.memory_space<semaphore_mem>>
        %dma_start3A_24 = arith.constant 0 : i32
        %dma_start3A_25 = tpu.memref_slice %arg8[%scan3A_13, %dma_start3A_24] : memref<80x128xi32, #tpu.memory_space<vmem>> -> memref<1x128xi32, #tpu.memory_space<vmem>>
        %dma_start3A_26 = tpu.memref_squeeze %dma_start3A_25 : memref<1x128xi32, #tpu.memory_space<vmem>> -> memref<128xi32, #tpu.memory_space<vmem>>
        %dma_start3A_27 = arith.constant 0 : i32
        %dma_start3A_28 = arith.constant 0 : i32
        %dma_start3A_29 = tpu.memref_slice %arg10[%dma_start3A_27, %dma_start3A_28] : memref<10112x128xf32, #tpu.memory_space<vmem_shared>> -> memref<10112x128xf32, #tpu.memory_space<vmem_shared>>
        tpu.enqueue_indirect_dma source(%arg9 : memref<128x128xf32, #tpu.memory_space<vmem>>) target(%dma_start3A_29 : memref<10112x128xf32, #tpu.memory_space<vmem_shared>>) offsets(%dma_start3A_26 : memref<128xi32, #tpu.memory_space<vmem>>) semaphore(%run_scoped3A : memref<!tpu.dma_semaphore, #tpu.memory_space<semaphore_mem>>) {add = true}
        %dma_wait3A_30 = arith.constant 0 : i32
        %dma_wait3A_31 = tpu.memref_slice %arg8[%scan3A_13, %dma_wait3A_30] : memref<80x128xi32, #tpu.memory_space<vmem>> -> memref<1x128xi32, #tpu.memory_space<vmem>>
        %dma_wait3A_32 = tpu.memref_squeeze %dma_wait3A_31 : memref<1x128xi32, #tpu.memory_space<vmem>> -> memref<128xi32, #tpu.memory_space<vmem>>
        %dma_wait3A_33 = arith.constant 0 : i32
        %dma_wait3A_34 = arith.constant 0 : i32
        %dma_wait3A_35 = tpu.memref_slice %arg10[%dma_wait3A_33, %dma_wait3A_34] : memref<10112x128xf32, #tpu.memory_space<vmem_shared>> -> memref<10112x128xf32, #tpu.memory_space<vmem_shared>>
        tpu.wait_indirect_dma semaphore(%run_scoped3A : memref<!tpu.dma_semaphore, #tpu.memory_space<semaphore_mem>>) src(%arg9 : memref<128x128xf32, #tpu.memory_space<vmem>>) dst(%dma_wait3A_35 : memref<10112x128xf32, #tpu.memory_space<vmem_shared>>)
        tpu.yield
      }) : () -> ()
    }
    %scan3A_7 = arith.constant 80 : i32
    %barrier3A_8 = arith.constant 0 : index
    tpu.barrier barrier_id(%barrier3A_8)
    %mul3A_9 = arith.constant 632 : i32
    %mul3A_10 = arith.muli %arg1, %mul3A_9 : i32
    %mul3A_11 = arith.constant 632 : i32
    %mul3A_12 = arith.muli %arg1, %mul3A_11 : i32
    "tpu.region"() ({
      %run_scoped3A = tpu.sem_alloc : memref<!tpu.dma_semaphore, #tpu.memory_space<semaphore_mem>>
      %dma_start3A = arith.constant 0 : i32
      %dma_start3A_13 = tpu.memref_slice %arg6[%arg0, %mul3A_12, %dma_start3A] : memref<2x10112x128xf32, #tpu.memory_space<hbm>> -> memref<1x632x128xf32, #tpu.memory_space<hbm>>
      %dma_start3A_14 = tpu.memref_squeeze %dma_start3A_13 : memref<1x632x128xf32, #tpu.memory_space<hbm>> -> memref<632x128xf32, #tpu.memory_space<hbm>>
      %dma_start3A_15 = arith.constant 0 : i32
      %dma_start3A_16 = tpu.memref_slice %arg10[%mul3A_10, %dma_start3A_15] : memref<10112x128xf32, #tpu.memory_space<vmem_shared>> -> memref<632x128xf32, #tpu.memory_space<vmem_shared>>
      tpu.enqueue_dma source(%dma_start3A_16 : memref<632x128xf32, #tpu.memory_space<vmem_shared>>) target(%dma_start3A_14 : memref<632x128xf32, #tpu.memory_space<hbm>>) target_semaphore(%run_scoped3A : memref<!tpu.dma_semaphore, #tpu.memory_space<semaphore_mem>>)
      %dma_wait3A = arith.constant 0 : i32
      %dma_wait3A_17 = tpu.memref_slice %arg6[%arg0, %mul3A_12, %dma_wait3A] : memref<2x10112x128xf32, #tpu.memory_space<hbm>> -> memref<1x632x128xf32, #tpu.memory_space<hbm>>
      %dma_wait3A_18 = tpu.memref_squeeze %dma_wait3A_17 : memref<1x632x128xf32, #tpu.memory_space<hbm>> -> memref<632x128xf32, #tpu.memory_space<hbm>>
      %dma_wait3A_19 = arith.constant 0 : i32
      %dma_wait3A_20 = tpu.memref_slice %arg10[%mul3A_10, %dma_wait3A_19] : memref<10112x128xf32, #tpu.memory_space<vmem_shared>> -> memref<632x128xf32, #tpu.memory_space<vmem_shared>>
      tpu.wait_dma2 semaphore(%run_scoped3A : memref<!tpu.dma_semaphore, #tpu.memory_space<semaphore_mem>>) src(%dma_wait3A_20 : memref<632x128xf32, #tpu.memory_space<vmem_shared>>) dst(%dma_wait3A_18 : memref<632x128xf32, #tpu.memory_space<hbm>>)
      tpu.yield
    }) : () -> ()
    return
  }
}

#map = affine_map<(d0, d1) -> (0, 0, 0)>
#map1 = affine_map<(d0, d1) -> (0, 0)>
module attributes {stable_mosaic.version = 14 : i64} {
  func.func @_deg_body(%arg0: i32, %arg1: i32, %arg2: memref<32x79x128xi32, #tpu.memory_space<hbm>>, %arg3: memref<128x128xf32, #tpu.memory_space<hbm>>, %arg4: memref<632x128xf32, #tpu.memory_space<hbm>>, %arg5: memref<2x10112x128xf32, #tpu.memory_space<hbm>>, %arg6: memref<79x128xi32, #tpu.memory_space<vmem>>, %arg7: memref<128x128xf32, #tpu.memory_space<vmem>>, %arg8: memref<10112x128xf32, #tpu.memory_space<vmem_shared>>) attributes {dimension_semantics = [#tpu.dimension_semantics<core_parallel>, #tpu.dimension_semantics<subcore_parallel>], iteration_bounds = array<i64: 2, 16>, scalar_prefetch = 0 : i64, scratch_operands = 3 : i64, tpu.core_type = #tpu.core_type<sc_vector_subcore>, window_params = [{transform_indices = #map}, {transform_indices = #map1}, {transform_indices = #map1}, {transform_indices = #map}]} {
    %mul3A = arith.constant 16 : i32
    %mul3A_0 = arith.muli %arg0, %mul3A : i32
    %add3A = arith.addi %mul3A_0, %arg1 : i32
    %mul3A_1 = arith.constant 632 : i32
    %mul3A_2 = arith.muli %arg1, %mul3A_1 : i32
    "tpu.region"() ({
      %run_scoped3A = tpu.sem_alloc : memref<!tpu.dma_semaphore, #tpu.memory_space<semaphore_mem>>
      %dma_start3A = arith.constant 0 : i32
      %dma_start3A_13 = tpu.memref_slice %arg8[%mul3A_2, %dma_start3A] : memref<10112x128xf32, #tpu.memory_space<vmem_shared>> -> memref<632x128xf32, #tpu.memory_space<vmem_shared>>
      tpu.enqueue_dma source(%arg4 : memref<632x128xf32, #tpu.memory_space<hbm>>) target(%dma_start3A_13 : memref<632x128xf32, #tpu.memory_space<vmem_shared>>) target_semaphore(%run_scoped3A : memref<!tpu.dma_semaphore, #tpu.memory_space<semaphore_mem>>)
      %dma_wait3A = arith.constant 0 : i32
      %dma_wait3A_14 = tpu.memref_slice %arg8[%mul3A_2, %dma_wait3A] : memref<10112x128xf32, #tpu.memory_space<vmem_shared>> -> memref<632x128xf32, #tpu.memory_space<vmem_shared>>
      tpu.wait_dma2 semaphore(%run_scoped3A : memref<!tpu.dma_semaphore, #tpu.memory_space<semaphore_mem>>) src(%arg4 : memref<632x128xf32, #tpu.memory_space<hbm>>) dst(%dma_wait3A_14 : memref<632x128xf32, #tpu.memory_space<vmem_shared>>)
      tpu.yield
    }) : () -> ()
    "tpu.region"() ({
      %run_scoped3A = tpu.sem_alloc : memref<!tpu.dma_semaphore, #tpu.memory_space<semaphore_mem>>
      %dma_start3A = arith.constant 0 : i32
      %dma_start3A_13 = arith.constant 0 : i32
      %dma_start3A_14 = tpu.memref_slice %arg2[%add3A, %dma_start3A, %dma_start3A_13] : memref<32x79x128xi32, #tpu.memory_space<hbm>> -> memref<1x79x128xi32, #tpu.memory_space<hbm>>
      %dma_start3A_15 = tpu.memref_squeeze %dma_start3A_14 : memref<1x79x128xi32, #tpu.memory_space<hbm>> -> memref<79x128xi32, #tpu.memory_space<hbm>>
      %dma_start3A_16 = arith.constant 0 : i32
      %dma_start3A_17 = arith.constant 0 : i32
      %dma_start3A_18 = tpu.memref_slice %arg2[%add3A, %dma_start3A_16, %dma_start3A_17] : memref<32x79x128xi32, #tpu.memory_space<hbm>> -> memref<1x79x128xi32, #tpu.memory_space<hbm>>
      %dma_start3A_19 = tpu.memref_squeeze %dma_start3A_18 : memref<1x79x128xi32, #tpu.memory_space<hbm>> -> memref<79x128xi32, #tpu.memory_space<hbm>>
      tpu.enqueue_dma source(%dma_start3A_19 : memref<79x128xi32, #tpu.memory_space<hbm>>) target(%arg6 : memref<79x128xi32, #tpu.memory_space<vmem>>) target_semaphore(%run_scoped3A : memref<!tpu.dma_semaphore, #tpu.memory_space<semaphore_mem>>)
      %dma_wait3A = arith.constant 0 : i32
      %dma_wait3A_20 = arith.constant 0 : i32
      %dma_wait3A_21 = tpu.memref_slice %arg2[%add3A, %dma_wait3A, %dma_wait3A_20] : memref<32x79x128xi32, #tpu.memory_space<hbm>> -> memref<1x79x128xi32, #tpu.memory_space<hbm>>
      %dma_wait3A_22 = tpu.memref_squeeze %dma_wait3A_21 : memref<1x79x128xi32, #tpu.memory_space<hbm>> -> memref<79x128xi32, #tpu.memory_space<hbm>>
      %dma_wait3A_23 = arith.constant 0 : i32
      %dma_wait3A_24 = arith.constant 0 : i32
      %dma_wait3A_25 = tpu.memref_slice %arg2[%add3A, %dma_wait3A_23, %dma_wait3A_24] : memref<32x79x128xi32, #tpu.memory_space<hbm>> -> memref<1x79x128xi32, #tpu.memory_space<hbm>>
      %dma_wait3A_26 = tpu.memref_squeeze %dma_wait3A_25 : memref<1x79x128xi32, #tpu.memory_space<hbm>> -> memref<79x128xi32, #tpu.memory_space<hbm>>
      tpu.wait_dma2 semaphore(%run_scoped3A : memref<!tpu.dma_semaphore, #tpu.memory_space<semaphore_mem>>) src(%dma_wait3A_26 : memref<79x128xi32, #tpu.memory_space<hbm>>) dst(%arg6 : memref<79x128xi32, #tpu.memory_space<vmem>>)
      tpu.yield
    }) : () -> ()
    "tpu.region"() ({
      %run_scoped3A = tpu.sem_alloc : memref<!tpu.dma_semaphore, #tpu.memory_space<semaphore_mem>>
      tpu.enqueue_dma source(%arg3 : memref<128x128xf32, #tpu.memory_space<hbm>>) target(%arg7 : memref<128x128xf32, #tpu.memory_space<vmem>>) target_semaphore(%run_scoped3A : memref<!tpu.dma_semaphore, #tpu.memory_space<semaphore_mem>>)
      tpu.wait_dma2 semaphore(%run_scoped3A : memref<!tpu.dma_semaphore, #tpu.memory_space<semaphore_mem>>) src(%arg3 : memref<128x128xf32, #tpu.memory_space<hbm>>) dst(%arg7 : memref<128x128xf32, #tpu.memory_space<vmem>>)
      tpu.yield
    }) : () -> ()
    %barrier3A = arith.constant 0 : index
    tpu.barrier barrier_id(%barrier3A)
    %scan3A = arith.constant 0 : i32
    %scan3A_3 = arith.constant 0 : i32
    %scan3A_4 = arith.constant 79 : i32
    %scan3A_5 = arith.addi %scan3A_3, %scan3A_4 : i32
    %scan3A_6 = arith.constant 1 : i32
    scf.for %scan3A_13 = %scan3A_3 to %scan3A_5 step %scan3A_6  : i32 {
      "tpu.region"() ({
        %run_scoped3A = tpu.sem_alloc : memref<!tpu.dma_semaphore, #tpu.memory_space<semaphore_mem>>
        %dma_start3A = arith.constant 0 : i32
        %dma_start3A_14 = tpu.memref_slice %arg6[%scan3A_13, %dma_start3A] : memref<79x128xi32, #tpu.memory_space<vmem>> -> memref<1x128xi32, #tpu.memory_space<vmem>>
        %dma_start3A_15 = tpu.memref_squeeze %dma_start3A_14 : memref<1x128xi32, #tpu.memory_space<vmem>> -> memref<128xi32, #tpu.memory_space<vmem>>
        %dma_start3A_16 = arith.constant 0 : i32
        %dma_start3A_17 = arith.constant 0 : i32
        %dma_start3A_18 = tpu.memref_slice %arg8[%dma_start3A_16, %dma_start3A_17] : memref<10112x128xf32, #tpu.memory_space<vmem_shared>> -> memref<10112x128xf32, #tpu.memory_space<vmem_shared>>
        tpu.enqueue_indirect_dma source(%arg7 : memref<128x128xf32, #tpu.memory_space<vmem>>) target(%dma_start3A_18 : memref<10112x128xf32, #tpu.memory_space<vmem_shared>>) offsets(%dma_start3A_15 : memref<128xi32, #tpu.memory_space<vmem>>) semaphore(%run_scoped3A : memref<!tpu.dma_semaphore, #tpu.memory_space<semaphore_mem>>) {add = true}
        %dma_wait3A = arith.constant 0 : i32
        %dma_wait3A_19 = tpu.memref_slice %arg6[%scan3A_13, %dma_wait3A] : memref<79x128xi32, #tpu.memory_space<vmem>> -> memref<1x128xi32, #tpu.memory_space<vmem>>
        %dma_wait3A_20 = tpu.memref_squeeze %dma_wait3A_19 : memref<1x128xi32, #tpu.memory_space<vmem>> -> memref<128xi32, #tpu.memory_space<vmem>>
        %dma_wait3A_21 = arith.constant 0 : i32
        %dma_wait3A_22 = arith.constant 0 : i32
        %dma_wait3A_23 = tpu.memref_slice %arg8[%dma_wait3A_21, %dma_wait3A_22] : memref<10112x128xf32, #tpu.memory_space<vmem_shared>> -> memref<10112x128xf32, #tpu.memory_space<vmem_shared>>
        tpu.wait_indirect_dma semaphore(%run_scoped3A : memref<!tpu.dma_semaphore, #tpu.memory_space<semaphore_mem>>) src(%arg7 : memref<128x128xf32, #tpu.memory_space<vmem>>) dst(%dma_wait3A_23 : memref<10112x128xf32, #tpu.memory_space<vmem_shared>>)
        tpu.yield
      }) : () -> ()
    }
    %scan3A_7 = arith.constant 79 : i32
    %barrier3A_8 = arith.constant 0 : index
    tpu.barrier barrier_id(%barrier3A_8)
    %mul3A_9 = arith.constant 632 : i32
    %mul3A_10 = arith.muli %arg1, %mul3A_9 : i32
    %mul3A_11 = arith.constant 632 : i32
    %mul3A_12 = arith.muli %arg1, %mul3A_11 : i32
    "tpu.region"() ({
      %run_scoped3A = tpu.sem_alloc : memref<!tpu.dma_semaphore, #tpu.memory_space<semaphore_mem>>
      %dma_start3A = arith.constant 0 : i32
      %dma_start3A_13 = tpu.memref_slice %arg5[%arg0, %mul3A_12, %dma_start3A] : memref<2x10112x128xf32, #tpu.memory_space<hbm>> -> memref<1x632x128xf32, #tpu.memory_space<hbm>>
      %dma_start3A_14 = tpu.memref_squeeze %dma_start3A_13 : memref<1x632x128xf32, #tpu.memory_space<hbm>> -> memref<632x128xf32, #tpu.memory_space<hbm>>
      %dma_start3A_15 = arith.constant 0 : i32
      %dma_start3A_16 = tpu.memref_slice %arg8[%mul3A_10, %dma_start3A_15] : memref<10112x128xf32, #tpu.memory_space<vmem_shared>> -> memref<632x128xf32, #tpu.memory_space<vmem_shared>>
      tpu.enqueue_dma source(%dma_start3A_16 : memref<632x128xf32, #tpu.memory_space<vmem_shared>>) target(%dma_start3A_14 : memref<632x128xf32, #tpu.memory_space<hbm>>) target_semaphore(%run_scoped3A : memref<!tpu.dma_semaphore, #tpu.memory_space<semaphore_mem>>)
      %dma_wait3A = arith.constant 0 : i32
      %dma_wait3A_17 = tpu.memref_slice %arg5[%arg0, %mul3A_12, %dma_wait3A] : memref<2x10112x128xf32, #tpu.memory_space<hbm>> -> memref<1x632x128xf32, #tpu.memory_space<hbm>>
      %dma_wait3A_18 = tpu.memref_squeeze %dma_wait3A_17 : memref<1x632x128xf32, #tpu.memory_space<hbm>> -> memref<632x128xf32, #tpu.memory_space<hbm>>
      %dma_wait3A_19 = arith.constant 0 : i32
      %dma_wait3A_20 = tpu.memref_slice %arg8[%mul3A_10, %dma_wait3A_19] : memref<10112x128xf32, #tpu.memory_space<vmem_shared>> -> memref<632x128xf32, #tpu.memory_space<vmem_shared>>
      tpu.wait_dma2 semaphore(%run_scoped3A : memref<!tpu.dma_semaphore, #tpu.memory_space<semaphore_mem>>) src(%dma_wait3A_20 : memref<632x128xf32, #tpu.memory_space<vmem_shared>>) dst(%dma_wait3A_18 : memref<632x128xf32, #tpu.memory_space<hbm>>)
      tpu.yield
    }) : () -> ()
    return
  }
}

#map = affine_map<(d0, d1) -> (0, 0)>
#map1 = affine_map<(d0, d1) -> (0, 0, 0)>
module attributes {stable_mosaic.version = 14 : i64} {
  func.func @_msg_body(%arg0: i32, %arg1: i32, %arg2: memref<10000x128xf32, #tpu.memory_space<hbm>>, %arg3: memref<32x80x128xi32, #tpu.memory_space<hbm>>, %arg4: memref<32x80x128xi32, #tpu.memory_space<hbm>>, %arg5: memref<632x128xf32, #tpu.memory_space<hbm>>, %arg6: memref<2x10112x128xf32, #tpu.memory_space<hbm>>, %arg7: memref<80x128xi32, #tpu.memory_space<vmem>>, %arg8: memref<80x128xi32, #tpu.memory_space<vmem>>, %arg9: memref<128x128xf32, #tpu.memory_space<vmem>>, %arg10: memref<10112x128xf32, #tpu.memory_space<vmem_shared>>, %arg11: memref<!tpu.dma_semaphore, #tpu.memory_space<semaphore_mem>>) attributes {dimension_semantics = [#tpu.dimension_semantics<core_parallel>, #tpu.dimension_semantics<subcore_parallel>], iteration_bounds = array<i64: 2, 16>, scalar_prefetch = 0 : i64, scratch_operands = 5 : i64, tpu.core_type = #tpu.core_type<sc_vector_subcore>, window_params = [{transform_indices = #map}, {transform_indices = #map1}, {transform_indices = #map1}, {transform_indices = #map}, {transform_indices = #map1}]} {
    %mul3A = arith.constant 16 : i32
    %mul3A_0 = arith.muli %arg0, %mul3A : i32
    %add3A = arith.addi %mul3A_0, %arg1 : i32
    %mul3A_1 = arith.constant 632 : i32
    %mul3A_2 = arith.muli %arg1, %mul3A_1 : i32
    "tpu.region"() ({
      %run_scoped3A = tpu.sem_alloc : memref<!tpu.dma_semaphore, #tpu.memory_space<semaphore_mem>>
      %dma_start3A = arith.constant 0 : i32
      %dma_start3A_13 = tpu.memref_slice %arg10[%mul3A_2, %dma_start3A] : memref<10112x128xf32, #tpu.memory_space<vmem_shared>> -> memref<632x128xf32, #tpu.memory_space<vmem_shared>>
      tpu.enqueue_dma source(%arg5 : memref<632x128xf32, #tpu.memory_space<hbm>>) target(%dma_start3A_13 : memref<632x128xf32, #tpu.memory_space<vmem_shared>>) target_semaphore(%run_scoped3A : memref<!tpu.dma_semaphore, #tpu.memory_space<semaphore_mem>>)
      %dma_wait3A = arith.constant 0 : i32
      %dma_wait3A_14 = tpu.memref_slice %arg10[%mul3A_2, %dma_wait3A] : memref<10112x128xf32, #tpu.memory_space<vmem_shared>> -> memref<632x128xf32, #tpu.memory_space<vmem_shared>>
      tpu.wait_dma2 semaphore(%run_scoped3A : memref<!tpu.dma_semaphore, #tpu.memory_space<semaphore_mem>>) src(%arg5 : memref<632x128xf32, #tpu.memory_space<hbm>>) dst(%dma_wait3A_14 : memref<632x128xf32, #tpu.memory_space<vmem_shared>>)
      tpu.yield
    }) : () -> ()
    "tpu.region"() ({
      %run_scoped3A = tpu.sem_alloc : memref<!tpu.dma_semaphore, #tpu.memory_space<semaphore_mem>>
      %dma_start3A = arith.constant 0 : i32
      %dma_start3A_13 = arith.constant 0 : i32
      %dma_start3A_14 = tpu.memref_slice %arg3[%add3A, %dma_start3A, %dma_start3A_13] : memref<32x80x128xi32, #tpu.memory_space<hbm>> -> memref<1x80x128xi32, #tpu.memory_space<hbm>>
      %dma_start3A_15 = tpu.memref_squeeze %dma_start3A_14 : memref<1x80x128xi32, #tpu.memory_space<hbm>> -> memref<80x128xi32, #tpu.memory_space<hbm>>
      %dma_start3A_16 = arith.constant 0 : i32
      %dma_start3A_17 = arith.constant 0 : i32
      %dma_start3A_18 = tpu.memref_slice %arg3[%add3A, %dma_start3A_16, %dma_start3A_17] : memref<32x80x128xi32, #tpu.memory_space<hbm>> -> memref<1x80x128xi32, #tpu.memory_space<hbm>>
      %dma_start3A_19 = tpu.memref_squeeze %dma_start3A_18 : memref<1x80x128xi32, #tpu.memory_space<hbm>> -> memref<80x128xi32, #tpu.memory_space<hbm>>
      tpu.enqueue_dma source(%dma_start3A_19 : memref<80x128xi32, #tpu.memory_space<hbm>>) target(%arg7 : memref<80x128xi32, #tpu.memory_space<vmem>>) target_semaphore(%run_scoped3A : memref<!tpu.dma_semaphore, #tpu.memory_space<semaphore_mem>>)
      %dma_wait3A = arith.constant 0 : i32
      %dma_wait3A_20 = arith.constant 0 : i32
      %dma_wait3A_21 = tpu.memref_slice %arg3[%add3A, %dma_wait3A, %dma_wait3A_20] : memref<32x80x128xi32, #tpu.memory_space<hbm>> -> memref<1x80x128xi32, #tpu.memory_space<hbm>>
      %dma_wait3A_22 = tpu.memref_squeeze %dma_wait3A_21 : memref<1x80x128xi32, #tpu.memory_space<hbm>> -> memref<80x128xi32, #tpu.memory_space<hbm>>
      %dma_wait3A_23 = arith.constant 0 : i32
      %dma_wait3A_24 = arith.constant 0 : i32
      %dma_wait3A_25 = tpu.memref_slice %arg3[%add3A, %dma_wait3A_23, %dma_wait3A_24] : memref<32x80x128xi32, #tpu.memory_space<hbm>> -> memref<1x80x128xi32, #tpu.memory_space<hbm>>
      %dma_wait3A_26 = tpu.memref_squeeze %dma_wait3A_25 : memref<1x80x128xi32, #tpu.memory_space<hbm>> -> memref<80x128xi32, #tpu.memory_space<hbm>>
      tpu.wait_dma2 semaphore(%run_scoped3A : memref<!tpu.dma_semaphore, #tpu.memory_space<semaphore_mem>>) src(%dma_wait3A_26 : memref<80x128xi32, #tpu.memory_space<hbm>>) dst(%arg7 : memref<80x128xi32, #tpu.memory_space<vmem>>)
      tpu.yield
    }) : () -> ()
    "tpu.region"() ({
      %run_scoped3A = tpu.sem_alloc : memref<!tpu.dma_semaphore, #tpu.memory_space<semaphore_mem>>
      %dma_start3A = arith.constant 0 : i32
      %dma_start3A_13 = arith.constant 0 : i32
      %dma_start3A_14 = tpu.memref_slice %arg4[%add3A, %dma_start3A, %dma_start3A_13] : memref<32x80x128xi32, #tpu.memory_space<hbm>> -> memref<1x80x128xi32, #tpu.memory_space<hbm>>
      %dma_start3A_15 = tpu.memref_squeeze %dma_start3A_14 : memref<1x80x128xi32, #tpu.memory_space<hbm>> -> memref<80x128xi32, #tpu.memory_space<hbm>>
      %dma_start3A_16 = arith.constant 0 : i32
      %dma_start3A_17 = arith.constant 0 : i32
      %dma_start3A_18 = tpu.memref_slice %arg4[%add3A, %dma_start3A_16, %dma_start3A_17] : memref<32x80x128xi32, #tpu.memory_space<hbm>> -> memref<1x80x128xi32, #tpu.memory_space<hbm>>
      %dma_start3A_19 = tpu.memref_squeeze %dma_start3A_18 : memref<1x80x128xi32, #tpu.memory_space<hbm>> -> memref<80x128xi32, #tpu.memory_space<hbm>>
      tpu.enqueue_dma source(%dma_start3A_19 : memref<80x128xi32, #tpu.memory_space<hbm>>) target(%arg8 : memref<80x128xi32, #tpu.memory_space<vmem>>) target_semaphore(%run_scoped3A : memref<!tpu.dma_semaphore, #tpu.memory_space<semaphore_mem>>)
      %dma_wait3A = arith.constant 0 : i32
      %dma_wait3A_20 = arith.constant 0 : i32
      %dma_wait3A_21 = tpu.memref_slice %arg4[%add3A, %dma_wait3A, %dma_wait3A_20] : memref<32x80x128xi32, #tpu.memory_space<hbm>> -> memref<1x80x128xi32, #tpu.memory_space<hbm>>
      %dma_wait3A_22 = tpu.memref_squeeze %dma_wait3A_21 : memref<1x80x128xi32, #tpu.memory_space<hbm>> -> memref<80x128xi32, #tpu.memory_space<hbm>>
      %dma_wait3A_23 = arith.constant 0 : i32
      %dma_wait3A_24 = arith.constant 0 : i32
      %dma_wait3A_25 = tpu.memref_slice %arg4[%add3A, %dma_wait3A_23, %dma_wait3A_24] : memref<32x80x128xi32, #tpu.memory_space<hbm>> -> memref<1x80x128xi32, #tpu.memory_space<hbm>>
      %dma_wait3A_26 = tpu.memref_squeeze %dma_wait3A_25 : memref<1x80x128xi32, #tpu.memory_space<hbm>> -> memref<80x128xi32, #tpu.memory_space<hbm>>
      tpu.wait_dma2 semaphore(%run_scoped3A : memref<!tpu.dma_semaphore, #tpu.memory_space<semaphore_mem>>) src(%dma_wait3A_26 : memref<80x128xi32, #tpu.memory_space<hbm>>) dst(%arg8 : memref<80x128xi32, #tpu.memory_space<vmem>>)
      tpu.yield
    }) : () -> ()
    %barrier3A = arith.constant 0 : index
    tpu.barrier barrier_id(%barrier3A)
    %scan3A = arith.constant 0 : i32
    %scan3A_3 = arith.constant 0 : i32
    %scan3A_4 = arith.constant 80 : i32
    %scan3A_5 = arith.addi %scan3A_3, %scan3A_4 : i32
    %scan3A_6 = arith.constant 1 : i32
    scf.for %scan3A_13 = %scan3A_3 to %scan3A_5 step %scan3A_6  : i32 {
      %dma_start3A = arith.constant 0 : i32
      %dma_start3A_14 = tpu.memref_slice %arg7[%scan3A_13, %dma_start3A] : memref<80x128xi32, #tpu.memory_space<vmem>> -> memref<1x128xi32, #tpu.memory_space<vmem>>
      %dma_start3A_15 = tpu.memref_squeeze %dma_start3A_14 : memref<1x128xi32, #tpu.memory_space<vmem>> -> memref<128xi32, #tpu.memory_space<vmem>>
      %dma_start3A_16 = arith.constant 0 : i32
      %dma_start3A_17 = arith.constant 0 : i32
      %dma_start3A_18 = tpu.memref_slice %arg2[%dma_start3A_16, %dma_start3A_17] : memref<10000x128xf32, #tpu.memory_space<hbm>> -> memref<10000x128xf32, #tpu.memory_space<hbm>>
      tpu.enqueue_indirect_dma source(%dma_start3A_18 : memref<10000x128xf32, #tpu.memory_space<hbm>>) target(%arg9 : memref<128x128xf32, #tpu.memory_space<vmem>>) offsets(%dma_start3A_15 : memref<128xi32, #tpu.memory_space<vmem>>) semaphore(%arg11 : memref<!tpu.dma_semaphore, #tpu.memory_space<semaphore_mem>>)
      %dma_wait3A = arith.constant 0 : i32
      %dma_wait3A_19 = tpu.memref_slice %arg7[%scan3A_13, %dma_wait3A] : memref<80x128xi32, #tpu.memory_space<vmem>> -> memref<1x128xi32, #tpu.memory_space<vmem>>
      %dma_wait3A_20 = tpu.memref_squeeze %dma_wait3A_19 : memref<1x128xi32, #tpu.memory_space<vmem>> -> memref<128xi32, #tpu.memory_space<vmem>>
      %dma_wait3A_21 = arith.constant 0 : i32
      %dma_wait3A_22 = arith.constant 0 : i32
      %dma_wait3A_23 = tpu.memref_slice %arg2[%dma_wait3A_21, %dma_wait3A_22] : memref<10000x128xf32, #tpu.memory_space<hbm>> -> memref<10000x128xf32, #tpu.memory_space<hbm>>
      tpu.wait_indirect_dma semaphore(%arg11 : memref<!tpu.dma_semaphore, #tpu.memory_space<semaphore_mem>>) src(%dma_wait3A_23 : memref<10000x128xf32, #tpu.memory_space<hbm>>) dst(%arg9 : memref<128x128xf32, #tpu.memory_space<vmem>>)
      "tpu.region"() ({
        %run_scoped3A = tpu.sem_alloc : memref<!tpu.dma_semaphore, #tpu.memory_space<semaphore_mem>>
        %dma_start3A_24 = arith.constant 0 : i32
        %dma_start3A_25 = tpu.memref_slice %arg8[%scan3A_13, %dma_start3A_24] : memref<80x128xi32, #tpu.memory_space<vmem>> -> memref<1x128xi32, #tpu.memory_space<vmem>>
        %dma_start3A_26 = tpu.memref_squeeze %dma_start3A_25 : memref<1x128xi32, #tpu.memory_space<vmem>> -> memref<128xi32, #tpu.memory_space<vmem>>
        %dma_start3A_27 = arith.constant 0 : i32
        %dma_start3A_28 = arith.constant 0 : i32
        %dma_start3A_29 = tpu.memref_slice %arg10[%dma_start3A_27, %dma_start3A_28] : memref<10112x128xf32, #tpu.memory_space<vmem_shared>> -> memref<10112x128xf32, #tpu.memory_space<vmem_shared>>
        tpu.enqueue_indirect_dma source(%arg9 : memref<128x128xf32, #tpu.memory_space<vmem>>) target(%dma_start3A_29 : memref<10112x128xf32, #tpu.memory_space<vmem_shared>>) offsets(%dma_start3A_26 : memref<128xi32, #tpu.memory_space<vmem>>) semaphore(%run_scoped3A : memref<!tpu.dma_semaphore, #tpu.memory_space<semaphore_mem>>) {add = true}
        %dma_wait3A_30 = arith.constant 0 : i32
        %dma_wait3A_31 = tpu.memref_slice %arg8[%scan3A_13, %dma_wait3A_30] : memref<80x128xi32, #tpu.memory_space<vmem>> -> memref<1x128xi32, #tpu.memory_space<vmem>>
        %dma_wait3A_32 = tpu.memref_squeeze %dma_wait3A_31 : memref<1x128xi32, #tpu.memory_space<vmem>> -> memref<128xi32, #tpu.memory_space<vmem>>
        %dma_wait3A_33 = arith.constant 0 : i32
        %dma_wait3A_34 = arith.constant 0 : i32
        %dma_wait3A_35 = tpu.memref_slice %arg10[%dma_wait3A_33, %dma_wait3A_34] : memref<10112x128xf32, #tpu.memory_space<vmem_shared>> -> memref<10112x128xf32, #tpu.memory_space<vmem_shared>>
        tpu.wait_indirect_dma semaphore(%run_scoped3A : memref<!tpu.dma_semaphore, #tpu.memory_space<semaphore_mem>>) src(%arg9 : memref<128x128xf32, #tpu.memory_space<vmem>>) dst(%dma_wait3A_35 : memref<10112x128xf32, #tpu.memory_space<vmem_shared>>)
        tpu.yield
      }) : () -> ()
    }
    %scan3A_7 = arith.constant 80 : i32
    %barrier3A_8 = arith.constant 0 : index
    tpu.barrier barrier_id(%barrier3A_8)
    %mul3A_9 = arith.constant 632 : i32
    %mul3A_10 = arith.muli %arg1, %mul3A_9 : i32
    %mul3A_11 = arith.constant 632 : i32
    %mul3A_12 = arith.muli %arg1, %mul3A_11 : i32
    "tpu.region"() ({
      %run_scoped3A = tpu.sem_alloc : memref<!tpu.dma_semaphore, #tpu.memory_space<semaphore_mem>>
      %dma_start3A = arith.constant 0 : i32
      %dma_start3A_13 = tpu.memref_slice %arg6[%arg0, %mul3A_12, %dma_start3A] : memref<2x10112x128xf32, #tpu.memory_space<hbm>> -> memref<1x632x128xf32, #tpu.memory_space<hbm>>
      %dma_start3A_14 = tpu.memref_squeeze %dma_start3A_13 : memref<1x632x128xf32, #tpu.memory_space<hbm>> -> memref<632x128xf32, #tpu.memory_space<hbm>>
      %dma_start3A_15 = arith.constant 0 : i32
      %dma_start3A_16 = tpu.memref_slice %arg10[%mul3A_10, %dma_start3A_15] : memref<10112x128xf32, #tpu.memory_space<vmem_shared>> -> memref<632x128xf32, #tpu.memory_space<vmem_shared>>
      tpu.enqueue_dma source(%dma_start3A_16 : memref<632x128xf32, #tpu.memory_space<vmem_shared>>) target(%dma_start3A_14 : memref<632x128xf32, #tpu.memory_space<hbm>>) target_semaphore(%run_scoped3A : memref<!tpu.dma_semaphore, #tpu.memory_space<semaphore_mem>>)
      %dma_wait3A = arith.constant 0 : i32
      %dma_wait3A_17 = tpu.memref_slice %arg6[%arg0, %mul3A_12, %dma_wait3A] : memref<2x10112x128xf32, #tpu.memory_space<hbm>> -> memref<1x632x128xf32, #tpu.memory_space<hbm>>
      %dma_wait3A_18 = tpu.memref_squeeze %dma_wait3A_17 : memref<1x632x128xf32, #tpu.memory_space<hbm>> -> memref<632x128xf32, #tpu.memory_space<hbm>>
      %dma_wait3A_19 = arith.constant 0 : i32
      %dma_wait3A_20 = tpu.memref_slice %arg10[%mul3A_10, %dma_wait3A_19] : memref<10112x128xf32, #tpu.memory_space<vmem_shared>> -> memref<632x128xf32, #tpu.memory_space<vmem_shared>>
      tpu.wait_dma2 semaphore(%run_scoped3A : memref<!tpu.dma_semaphore, #tpu.memory_space<semaphore_mem>>) src(%dma_wait3A_20 : memref<632x128xf32, #tpu.memory_space<vmem_shared>>) dst(%dma_wait3A_18 : memref<632x128xf32, #tpu.memory_space<hbm>>)
      tpu.yield
    }) : () -> ()
    return
  }
}

#map = affine_map<(d0, d1) -> (0, 0)>
#map1 = affine_map<(d0, d1) -> (0, 0, 0)>
module attributes {stable_mosaic.version = 14 : i64} {
  func.func @_msg_body(%arg0: i32, %arg1: i32, %arg2: memref<10000x128xf32, #tpu.memory_space<hbm>>, %arg3: memref<32x80x128xi32, #tpu.memory_space<hbm>>, %arg4: memref<32x80x128xi32, #tpu.memory_space<hbm>>, %arg5: memref<632x128xf32, #tpu.memory_space<hbm>>, %arg6: memref<2x10112x128xf32, #tpu.memory_space<hbm>>, %arg7: memref<80x128xi32, #tpu.memory_space<vmem>>, %arg8: memref<80x128xi32, #tpu.memory_space<vmem>>, %arg9: memref<128x128xf32, #tpu.memory_space<vmem>>, %arg10: memref<10112x128xf32, #tpu.memory_space<vmem_shared>>, %arg11: memref<!tpu.dma_semaphore, #tpu.memory_space<semaphore_mem>>) attributes {dimension_semantics = [#tpu.dimension_semantics<core_parallel>, #tpu.dimension_semantics<subcore_parallel>], iteration_bounds = array<i64: 2, 16>, scalar_prefetch = 0 : i64, scratch_operands = 5 : i64, tpu.core_type = #tpu.core_type<sc_vector_subcore>, window_params = [{transform_indices = #map}, {transform_indices = #map1}, {transform_indices = #map1}, {transform_indices = #map}, {transform_indices = #map1}]} {
    %mul3A = arith.constant 16 : i32
    %mul3A_0 = arith.muli %arg0, %mul3A : i32
    %add3A = arith.addi %mul3A_0, %arg1 : i32
    %mul3A_1 = arith.constant 632 : i32
    %mul3A_2 = arith.muli %arg1, %mul3A_1 : i32
    "tpu.region"() ({
      %run_scoped3A = tpu.sem_alloc : memref<!tpu.dma_semaphore, #tpu.memory_space<semaphore_mem>>
      %dma_start3A = arith.constant 0 : i32
      %dma_start3A_13 = tpu.memref_slice %arg10[%mul3A_2, %dma_start3A] : memref<10112x128xf32, #tpu.memory_space<vmem_shared>> -> memref<632x128xf32, #tpu.memory_space<vmem_shared>>
      tpu.enqueue_dma source(%arg5 : memref<632x128xf32, #tpu.memory_space<hbm>>) target(%dma_start3A_13 : memref<632x128xf32, #tpu.memory_space<vmem_shared>>) target_semaphore(%run_scoped3A : memref<!tpu.dma_semaphore, #tpu.memory_space<semaphore_mem>>)
      %dma_wait3A = arith.constant 0 : i32
      %dma_wait3A_14 = tpu.memref_slice %arg10[%mul3A_2, %dma_wait3A] : memref<10112x128xf32, #tpu.memory_space<vmem_shared>> -> memref<632x128xf32, #tpu.memory_space<vmem_shared>>
      tpu.wait_dma2 semaphore(%run_scoped3A : memref<!tpu.dma_semaphore, #tpu.memory_space<semaphore_mem>>) src(%arg5 : memref<632x128xf32, #tpu.memory_space<hbm>>) dst(%dma_wait3A_14 : memref<632x128xf32, #tpu.memory_space<vmem_shared>>)
      tpu.yield
    }) : () -> ()
    "tpu.region"() ({
      %run_scoped3A = tpu.sem_alloc : memref<!tpu.dma_semaphore, #tpu.memory_space<semaphore_mem>>
      %dma_start3A = arith.constant 0 : i32
      %dma_start3A_13 = arith.constant 0 : i32
      %dma_start3A_14 = tpu.memref_slice %arg3[%add3A, %dma_start3A, %dma_start3A_13] : memref<32x80x128xi32, #tpu.memory_space<hbm>> -> memref<1x80x128xi32, #tpu.memory_space<hbm>>
      %dma_start3A_15 = tpu.memref_squeeze %dma_start3A_14 : memref<1x80x128xi32, #tpu.memory_space<hbm>> -> memref<80x128xi32, #tpu.memory_space<hbm>>
      %dma_start3A_16 = arith.constant 0 : i32
      %dma_start3A_17 = arith.constant 0 : i32
      %dma_start3A_18 = tpu.memref_slice %arg3[%add3A, %dma_start3A_16, %dma_start3A_17] : memref<32x80x128xi32, #tpu.memory_space<hbm>> -> memref<1x80x128xi32, #tpu.memory_space<hbm>>
      %dma_start3A_19 = tpu.memref_squeeze %dma_start3A_18 : memref<1x80x128xi32, #tpu.memory_space<hbm>> -> memref<80x128xi32, #tpu.memory_space<hbm>>
      tpu.enqueue_dma source(%dma_start3A_19 : memref<80x128xi32, #tpu.memory_space<hbm>>) target(%arg7 : memref<80x128xi32, #tpu.memory_space<vmem>>) target_semaphore(%run_scoped3A : memref<!tpu.dma_semaphore, #tpu.memory_space<semaphore_mem>>)
      %dma_wait3A = arith.constant 0 : i32
      %dma_wait3A_20 = arith.constant 0 : i32
      %dma_wait3A_21 = tpu.memref_slice %arg3[%add3A, %dma_wait3A, %dma_wait3A_20] : memref<32x80x128xi32, #tpu.memory_space<hbm>> -> memref<1x80x128xi32, #tpu.memory_space<hbm>>
      %dma_wait3A_22 = tpu.memref_squeeze %dma_wait3A_21 : memref<1x80x128xi32, #tpu.memory_space<hbm>> -> memref<80x128xi32, #tpu.memory_space<hbm>>
      %dma_wait3A_23 = arith.constant 0 : i32
      %dma_wait3A_24 = arith.constant 0 : i32
      %dma_wait3A_25 = tpu.memref_slice %arg3[%add3A, %dma_wait3A_23, %dma_wait3A_24] : memref<32x80x128xi32, #tpu.memory_space<hbm>> -> memref<1x80x128xi32, #tpu.memory_space<hbm>>
      %dma_wait3A_26 = tpu.memref_squeeze %dma_wait3A_25 : memref<1x80x128xi32, #tpu.memory_space<hbm>> -> memref<80x128xi32, #tpu.memory_space<hbm>>
      tpu.wait_dma2 semaphore(%run_scoped3A : memref<!tpu.dma_semaphore, #tpu.memory_space<semaphore_mem>>) src(%dma_wait3A_26 : memref<80x128xi32, #tpu.memory_space<hbm>>) dst(%arg7 : memref<80x128xi32, #tpu.memory_space<vmem>>)
      tpu.yield
    }) : () -> ()
    "tpu.region"() ({
      %run_scoped3A = tpu.sem_alloc : memref<!tpu.dma_semaphore, #tpu.memory_space<semaphore_mem>>
      %dma_start3A = arith.constant 0 : i32
      %dma_start3A_13 = arith.constant 0 : i32
      %dma_start3A_14 = tpu.memref_slice %arg4[%add3A, %dma_start3A, %dma_start3A_13] : memref<32x80x128xi32, #tpu.memory_space<hbm>> -> memref<1x80x128xi32, #tpu.memory_space<hbm>>
      %dma_start3A_15 = tpu.memref_squeeze %dma_start3A_14 : memref<1x80x128xi32, #tpu.memory_space<hbm>> -> memref<80x128xi32, #tpu.memory_space<hbm>>
      %dma_start3A_16 = arith.constant 0 : i32
      %dma_start3A_17 = arith.constant 0 : i32
      %dma_start3A_18 = tpu.memref_slice %arg4[%add3A, %dma_start3A_16, %dma_start3A_17] : memref<32x80x128xi32, #tpu.memory_space<hbm>> -> memref<1x80x128xi32, #tpu.memory_space<hbm>>
      %dma_start3A_19 = tpu.memref_squeeze %dma_start3A_18 : memref<1x80x128xi32, #tpu.memory_space<hbm>> -> memref<80x128xi32, #tpu.memory_space<hbm>>
      tpu.enqueue_dma source(%dma_start3A_19 : memref<80x128xi32, #tpu.memory_space<hbm>>) target(%arg8 : memref<80x128xi32, #tpu.memory_space<vmem>>) target_semaphore(%run_scoped3A : memref<!tpu.dma_semaphore, #tpu.memory_space<semaphore_mem>>)
      %dma_wait3A = arith.constant 0 : i32
      %dma_wait3A_20 = arith.constant 0 : i32
      %dma_wait3A_21 = tpu.memref_slice %arg4[%add3A, %dma_wait3A, %dma_wait3A_20] : memref<32x80x128xi32, #tpu.memory_space<hbm>> -> memref<1x80x128xi32, #tpu.memory_space<hbm>>
      %dma_wait3A_22 = tpu.memref_squeeze %dma_wait3A_21 : memref<1x80x128xi32, #tpu.memory_space<hbm>> -> memref<80x128xi32, #tpu.memory_space<hbm>>
      %dma_wait3A_23 = arith.constant 0 : i32
      %dma_wait3A_24 = arith.constant 0 : i32
      %dma_wait3A_25 = tpu.memref_slice %arg4[%add3A, %dma_wait3A_23, %dma_wait3A_24] : memref<32x80x128xi32, #tpu.memory_space<hbm>> -> memref<1x80x128xi32, #tpu.memory_space<hbm>>
      %dma_wait3A_26 = tpu.memref_squeeze %dma_wait3A_25 : memref<1x80x128xi32, #tpu.memory_space<hbm>> -> memref<80x128xi32, #tpu.memory_space<hbm>>
      tpu.wait_dma2 semaphore(%run_scoped3A : memref<!tpu.dma_semaphore, #tpu.memory_space<semaphore_mem>>) src(%dma_wait3A_26 : memref<80x128xi32, #tpu.memory_space<hbm>>) dst(%arg8 : memref<80x128xi32, #tpu.memory_space<vmem>>)
      tpu.yield
    }) : () -> ()
    %barrier3A = arith.constant 0 : index
    tpu.barrier barrier_id(%barrier3A)
    %scan3A = arith.constant 0 : i32
    %scan3A_3 = arith.constant 0 : i32
    %scan3A_4 = arith.constant 80 : i32
    %scan3A_5 = arith.addi %scan3A_3, %scan3A_4 : i32
    %scan3A_6 = arith.constant 1 : i32
    scf.for %scan3A_13 = %scan3A_3 to %scan3A_5 step %scan3A_6  : i32 {
      %dma_start3A = arith.constant 0 : i32
      %dma_start3A_14 = tpu.memref_slice %arg7[%scan3A_13, %dma_start3A] : memref<80x128xi32, #tpu.memory_space<vmem>> -> memref<1x128xi32, #tpu.memory_space<vmem>>
      %dma_start3A_15 = tpu.memref_squeeze %dma_start3A_14 : memref<1x128xi32, #tpu.memory_space<vmem>> -> memref<128xi32, #tpu.memory_space<vmem>>
      %dma_start3A_16 = arith.constant 0 : i32
      %dma_start3A_17 = arith.constant 0 : i32
      %dma_start3A_18 = tpu.memref_slice %arg2[%dma_start3A_16, %dma_start3A_17] : memref<10000x128xf32, #tpu.memory_space<hbm>> -> memref<10000x128xf32, #tpu.memory_space<hbm>>
      tpu.enqueue_indirect_dma source(%dma_start3A_18 : memref<10000x128xf32, #tpu.memory_space<hbm>>) target(%arg9 : memref<128x128xf32, #tpu.memory_space<vmem>>) offsets(%dma_start3A_15 : memref<128xi32, #tpu.memory_space<vmem>>) semaphore(%arg11 : memref<!tpu.dma_semaphore, #tpu.memory_space<semaphore_mem>>)
      %dma_wait3A = arith.constant 0 : i32
      %dma_wait3A_19 = tpu.memref_slice %arg7[%scan3A_13, %dma_wait3A] : memref<80x128xi32, #tpu.memory_space<vmem>> -> memref<1x128xi32, #tpu.memory_space<vmem>>
      %dma_wait3A_20 = tpu.memref_squeeze %dma_wait3A_19 : memref<1x128xi32, #tpu.memory_space<vmem>> -> memref<128xi32, #tpu.memory_space<vmem>>
      %dma_wait3A_21 = arith.constant 0 : i32
      %dma_wait3A_22 = arith.constant 0 : i32
      %dma_wait3A_23 = tpu.memref_slice %arg2[%dma_wait3A_21, %dma_wait3A_22] : memref<10000x128xf32, #tpu.memory_space<hbm>> -> memref<10000x128xf32, #tpu.memory_space<hbm>>
      tpu.wait_indirect_dma semaphore(%arg11 : memref<!tpu.dma_semaphore, #tpu.memory_space<semaphore_mem>>) src(%dma_wait3A_23 : memref<10000x128xf32, #tpu.memory_space<hbm>>) dst(%arg9 : memref<128x128xf32, #tpu.memory_space<vmem>>)
      "tpu.region"() ({
        %run_scoped3A = tpu.sem_alloc : memref<!tpu.dma_semaphore, #tpu.memory_space<semaphore_mem>>
        %dma_start3A_24 = arith.constant 0 : i32
        %dma_start3A_25 = tpu.memref_slice %arg8[%scan3A_13, %dma_start3A_24] : memref<80x128xi32, #tpu.memory_space<vmem>> -> memref<1x128xi32, #tpu.memory_space<vmem>>
        %dma_start3A_26 = tpu.memref_squeeze %dma_start3A_25 : memref<1x128xi32, #tpu.memory_space<vmem>> -> memref<128xi32, #tpu.memory_space<vmem>>
        %dma_start3A_27 = arith.constant 0 : i32
        %dma_start3A_28 = arith.constant 0 : i32
        %dma_start3A_29 = tpu.memref_slice %arg10[%dma_start3A_27, %dma_start3A_28] : memref<10112x128xf32, #tpu.memory_space<vmem_shared>> -> memref<10112x128xf32, #tpu.memory_space<vmem_shared>>
        tpu.enqueue_indirect_dma source(%arg9 : memref<128x128xf32, #tpu.memory_space<vmem>>) target(%dma_start3A_29 : memref<10112x128xf32, #tpu.memory_space<vmem_shared>>) offsets(%dma_start3A_26 : memref<128xi32, #tpu.memory_space<vmem>>) semaphore(%run_scoped3A : memref<!tpu.dma_semaphore, #tpu.memory_space<semaphore_mem>>) {add = true}
        %dma_wait3A_30 = arith.constant 0 : i32
        %dma_wait3A_31 = tpu.memref_slice %arg8[%scan3A_13, %dma_wait3A_30] : memref<80x128xi32, #tpu.memory_space<vmem>> -> memref<1x128xi32, #tpu.memory_space<vmem>>
        %dma_wait3A_32 = tpu.memref_squeeze %dma_wait3A_31 : memref<1x128xi32, #tpu.memory_space<vmem>> -> memref<128xi32, #tpu.memory_space<vmem>>
        %dma_wait3A_33 = arith.constant 0 : i32
        %dma_wait3A_34 = arith.constant 0 : i32
        %dma_wait3A_35 = tpu.memref_slice %arg10[%dma_wait3A_33, %dma_wait3A_34] : memref<10112x128xf32, #tpu.memory_space<vmem_shared>> -> memref<10112x128xf32, #tpu.memory_space<vmem_shared>>
        tpu.wait_indirect_dma semaphore(%run_scoped3A : memref<!tpu.dma_semaphore, #tpu.memory_space<semaphore_mem>>) src(%arg9 : memref<128x128xf32, #tpu.memory_space<vmem>>) dst(%dma_wait3A_35 : memref<10112x128xf32, #tpu.memory_space<vmem_shared>>)
        tpu.yield
      }) : () -> ()
    }
    %scan3A_7 = arith.constant 80 : i32
    %barrier3A_8 = arith.constant 0 : index
    tpu.barrier barrier_id(%barrier3A_8)
    %mul3A_9 = arith.constant 632 : i32
    %mul3A_10 = arith.muli %arg1, %mul3A_9 : i32
    %mul3A_11 = arith.constant 632 : i32
    %mul3A_12 = arith.muli %arg1, %mul3A_11 : i32
    "tpu.region"() ({
      %run_scoped3A = tpu.sem_alloc : memref<!tpu.dma_semaphore, #tpu.memory_space<semaphore_mem>>
      %dma_start3A = arith.constant 0 : i32
      %dma_start3A_13 = tpu.memref_slice %arg6[%arg0, %mul3A_12, %dma_start3A] : memref<2x10112x128xf32, #tpu.memory_space<hbm>> -> memref<1x632x128xf32, #tpu.memory_space<hbm>>
      %dma_start3A_14 = tpu.memref_squeeze %dma_start3A_13 : memref<1x632x128xf32, #tpu.memory_space<hbm>> -> memref<632x128xf32, #tpu.memory_space<hbm>>
      %dma_start3A_15 = arith.constant 0 : i32
      %dma_start3A_16 = tpu.memref_slice %arg10[%mul3A_10, %dma_start3A_15] : memref<10112x128xf32, #tpu.memory_space<vmem_shared>> -> memref<632x128xf32, #tpu.memory_space<vmem_shared>>
      tpu.enqueue_dma source(%dma_start3A_16 : memref<632x128xf32, #tpu.memory_space<vmem_shared>>) target(%dma_start3A_14 : memref<632x128xf32, #tpu.memory_space<hbm>>) target_semaphore(%run_scoped3A : memref<!tpu.dma_semaphore, #tpu.memory_space<semaphore_mem>>)
      %dma_wait3A = arith.constant 0 : i32
      %dma_wait3A_17 = tpu.memref_slice %arg6[%arg0, %mul3A_12, %dma_wait3A] : memref<2x10112x128xf32, #tpu.memory_space<hbm>> -> memref<1x632x128xf32, #tpu.memory_space<hbm>>
      %dma_wait3A_18 = tpu.memref_squeeze %dma_wait3A_17 : memref<1x632x128xf32, #tpu.memory_space<hbm>> -> memref<632x128xf32, #tpu.memory_space<hbm>>
      %dma_wait3A_19 = arith.constant 0 : i32
      %dma_wait3A_20 = tpu.memref_slice %arg10[%mul3A_10, %dma_wait3A_19] : memref<10112x128xf32, #tpu.memory_space<vmem_shared>> -> memref<632x128xf32, #tpu.memory_space<vmem_shared>>
      tpu.wait_dma2 semaphore(%run_scoped3A : memref<!tpu.dma_semaphore, #tpu.memory_space<semaphore_mem>>) src(%dma_wait3A_20 : memref<632x128xf32, #tpu.memory_space<vmem_shared>>) dst(%dma_wait3A_18 : memref<632x128xf32, #tpu.memory_space<hbm>>)
      tpu.yield
    }) : () -> ()
    return
  }
}

module attributes {stable_mosaic.version = 14 : i64} {
  func.func @_prep_body(%arg0: i32, %arg1: memref<2x2000x128xf32, #tpu.memory_space<vmem>>, %arg2: memref<2000x128xf32, #tpu.memory_space<vmem>>, %arg3: memref<2000x128xf32, #tpu.memory_space<vmem>>, %arg4: memref<2000x128xf32, #tpu.memory_space<vmem>>) attributes {dimension_semantics = [#tpu.dimension_semantics<arbitrary>], iteration_bounds = array<i64: 5>, scalar_prefetch = 0 : i64, scratch_operands = 0 : i64, tpu.core_type = #tpu.core_type<tc>, window_params = [{transform_indices = @transform_0, window_bounds = array<i64: 2, 2000, 128>}, {transform_indices = @transform_1, window_bounds = array<i64: 2000, 128>}, {transform_indices = @transform_2, window_bounds = array<i64: 2000, 128>}, {transform_indices = @transform_3, window_bounds = array<i64: 2000, 128>}]} {
    %get3A = arith.constant 0 : index
    %get3A_0 = arith.constant 0 : index
    %get3A_1 = arith.constant 0 : index
    %get3A_2 = vector.load %arg1[%get3A, %get3A_0, %get3A_1] : memref<2x2000x128xf32, #tpu.memory_space<vmem>>, vector<2x2000x128xf32>
    %slice3A = vector.extract_strided_slice %get3A_2 {offsets = [0, 0, 0], sizes = [1, 2000, 1], strides = [1, 1, 1]} : vector<2x2000x128xf32> to vector<1x2000x1xf32>
    %squeeze3A = vector.shape_cast %slice3A : vector<1x2000x1xf32> to vector<2000xf32>
    %slice3A_3 = vector.extract_strided_slice %get3A_2 {offsets = [1, 0, 0], sizes = [1, 2000, 1], strides = [1, 1, 1]} : vector<2x2000x128xf32> to vector<1x2000x1xf32>
    %squeeze3A_4 = vector.shape_cast %slice3A_3 : vector<1x2000x1xf32> to vector<2000xf32>
    %add3A = arith.addf %squeeze3A, %squeeze3A_4 : vector<2000xf32>
    %max3A = arith.constant 1.000000e+00 : f32
    %max3A_5 = vector.broadcast %max3A : f32 to vector<2000xf32>
    %max3A_6 = arith.maximumf %add3A, %max3A_5 : vector<2000xf32>
    %rsqrt3A = math.rsqrt %max3A_6 : vector<2000xf32>
    %broadcast_in_dim3A = vector.shape_cast %rsqrt3A : vector<2000xf32> to vector<2000x1xf32>
    %broadcast_in_dim3A_7 = vector.shape_cast %broadcast_in_dim3A : vector<2000x1xf32> to vector<2000x1xf32>
    %broadcast_in_dim3A_8 = vector.broadcast %broadcast_in_dim3A_7 : vector<2000x1xf32> to vector<2000x128xf32>
    %swap3A = arith.constant 0 : index
    %swap3A_9 = arith.constant 0 : index
    %swap3A_10 = vector.load %arg3[%swap3A, %swap3A_9] : memref<2000x128xf32, #tpu.memory_space<vmem>>, vector<2000x128xf32>
    tpu.vector_store %arg3[%swap3A, %swap3A_9], %broadcast_in_dim3A_8 {strides = array<i32>} : memref<2000x128xf32, #tpu.memory_space<vmem>>, vector<2000x128xf32>,
    %get3A_11 = arith.constant 0 : index
    %get3A_12 = arith.constant 0 : index
    %get3A_13 = vector.load %arg2[%get3A_11, %get3A_12] : memref<2000x128xf32, #tpu.memory_space<vmem>>, vector<2000x128xf32>
    %mul3A = arith.mulf %get3A_13, %broadcast_in_dim3A_8 : vector<2000x128xf32>
    %swap3A_14 = arith.constant 0 : index
    %swap3A_15 = arith.constant 0 : index
    %swap3A_16 = vector.load %arg4[%swap3A_14, %swap3A_15] : memref<2000x128xf32, #tpu.memory_space<vmem>>, vector<2000x128xf32>
    tpu.vector_store %arg4[%swap3A_14, %swap3A_15], %mul3A {strides = array<i32>} : memref<2000x128xf32, #tpu.memory_space<vmem>>, vector<2000x128xf32>,
    return
  }
  func.func @transform_0(%arg0: i32) -> (i32, i32, i32) {
    %c0_i32 = arith.constant 0 : i32
    %c0_i32_0 = arith.constant 0 : i32
    %c0_i32_1 = arith.constant 0 : i32
    return %c0_i32, %arg0, %c0_i32_0 : i32, i32, i32
  }
  func.func @transform_1(%arg0: i32) -> (i32, i32) {
    %c0_i32 = arith.constant 0 : i32
    %c0_i32_0 = arith.constant 0 : i32
    return %arg0, %c0_i32 : i32, i32
  }
  func.func @transform_2(%arg0: i32) -> (i32, i32) {
    %c0_i32 = arith.constant 0 : i32
    %c0_i32_0 = arith.constant 0 : i32
    return %arg0, %c0_i32 : i32, i32
  }
  func.func @transform_3(%arg0: i32) -> (i32, i32) {
    %c0_i32 = arith.constant 0 : i32
    %c0_i32_0 = arith.constant 0 : i32
    return %arg0, %c0_i32 : i32, i32
  }
}

module attributes {stable_mosaic.version = 14 : i64} {
  func.func @_layer_body(%arg0: i32, %arg1: memref<2x2000x128xf32, #tpu.memory_space<vmem>>, %arg2: memref<2000x128xf32, #tpu.memory_space<vmem>>, %arg3: memref<128x128xf32, #tpu.memory_space<vmem>>, %arg4: memref<128xf32, #tpu.memory_space<vmem>>, %arg5: memref<2000x128xf32, #tpu.memory_space<vmem>>) attributes {dimension_semantics = [#tpu.dimension_semantics<arbitrary>], iteration_bounds = array<i64: 5>, scalar_prefetch = 0 : i64, scratch_operands = 0 : i64, tpu.core_type = #tpu.core_type<tc>, window_params = [{transform_indices = @transform_0, window_bounds = array<i64: 2, 2000, 128>}, {transform_indices = @transform_1, window_bounds = array<i64: 2000, 128>}, {pipeline_mode = #tpu.pipeline_mode<synchronous>, transform_indices = @transform_2, window_bounds = array<i64: 128, 128>}, {pipeline_mode = #tpu.pipeline_mode<synchronous>, transform_indices = @transform_3, window_bounds = array<i64: 128>}, {transform_indices = @transform_4, window_bounds = array<i64: 2000, 128>}]} {
    %get3A = arith.constant 0 : index
    %get3A_0 = arith.constant 0 : index
    %get3A_1 = arith.constant 0 : index
    %get3A_2 = vector.load %arg1[%get3A, %get3A_0, %get3A_1] : memref<2x2000x128xf32, #tpu.memory_space<vmem>>, vector<2x2000x128xf32>
    %slice3A = vector.extract_strided_slice %get3A_2 {offsets = [0, 0, 0], sizes = [1, 2000, 128], strides = [1, 1, 1]} : vector<2x2000x128xf32> to vector<1x2000x128xf32>
    %squeeze3A = vector.shape_cast %slice3A : vector<1x2000x128xf32> to vector<2000x128xf32>
    %slice3A_3 = vector.extract_strided_slice %get3A_2 {offsets = [1, 0, 0], sizes = [1, 2000, 128], strides = [1, 1, 1]} : vector<2x2000x128xf32> to vector<1x2000x128xf32>
    %squeeze3A_4 = vector.shape_cast %slice3A_3 : vector<1x2000x128xf32> to vector<2000x128xf32>
    %add3A = arith.addf %squeeze3A, %squeeze3A_4 : vector<2000x128xf32>
    %get3A_5 = arith.constant 0 : index
    %get3A_6 = arith.constant 0 : index
    %get3A_7 = vector.load %arg2[%get3A_5, %get3A_6] : memref<2000x128xf32, #tpu.memory_space<vmem>>, vector<2000x128xf32>
    %mul3A = arith.mulf %add3A, %get3A_7 : vector<2000x128xf32>
    %get3A_8 = arith.constant 0 : index
    %get3A_9 = arith.constant 0 : index
    %get3A_10 = vector.load %arg3[%get3A_8, %get3A_9] : memref<128x128xf32, #tpu.memory_space<vmem>>, vector<128x128xf32>
    %dot_general3A = arith.constant dense<0.000000e+00> : vector<2000x128xf32>
    %dot_general3A_11 = tpu.matmul %mul3A, %get3A_10, %dot_general3A {dimension_numbers = #tpu.dot_dimension_numbers<[1], [0], [0], [1], [0, 0, 1, 1], [], []>, transpose_lhs_hint = false} : vector<2000x128xf32>, vector<128x128xf32>, vector<2000x128xf32> -> vector<2000x128xf32>
    %get3A_12 = arith.constant 0 : index
    %get3A_13 = vector.load %arg4[%get3A_12] : memref<128xf32, #tpu.memory_space<vmem>>, vector<128xf32>
    %broadcast_in_dim3A = vector.shape_cast %get3A_13 : vector<128xf32> to vector<1x128xf32>
    %add3A_14 = vector.broadcast %broadcast_in_dim3A : vector<1x128xf32> to vector<2000x128xf32>
    %add3A_15 = arith.addf %dot_general3A_11, %add3A_14 : vector<2000x128xf32>
    %max3A = arith.constant 0.000000e+00 : f32
    %max3A_16 = vector.broadcast %max3A : f32 to vector<2000x128xf32>
    %max3A_17 = arith.maximumf %add3A_15, %max3A_16 : vector<2000x128xf32>
    %get3A_18 = arith.constant 0 : index
    %get3A_19 = arith.constant 0 : index
    %get3A_20 = vector.load %arg2[%get3A_18, %get3A_19] : memref<2000x128xf32, #tpu.memory_space<vmem>>, vector<2000x128xf32>
    %mul3A_21 = arith.mulf %max3A_17, %get3A_20 : vector<2000x128xf32>
    %swap3A = arith.constant 0 : index
    %swap3A_22 = arith.constant 0 : index
    %swap3A_23 = vector.load %arg5[%swap3A, %swap3A_22] : memref<2000x128xf32, #tpu.memory_space<vmem>>, vector<2000x128xf32>
    tpu.vector_store %arg5[%swap3A, %swap3A_22], %mul3A_21 {strides = array<i32>} : memref<2000x128xf32, #tpu.memory_space<vmem>>, vector<2000x128xf32>,
    return
  }
  func.func @transform_0(%arg0: i32) -> (i32, i32, i32) {
    %c0_i32 = arith.constant 0 : i32
    %c0_i32_0 = arith.constant 0 : i32
    %c0_i32_1 = arith.constant 0 : i32
    return %c0_i32, %arg0, %c0_i32_0 : i32, i32, i32
  }
  func.func @transform_1(%arg0: i32) -> (i32, i32) {
    %c0_i32 = arith.constant 0 : i32
    %c0_i32_0 = arith.constant 0 : i32
    return %arg0, %c0_i32 : i32, i32
  }
  func.func @transform_2(%arg0: i32) -> (i32, i32) {
    %c0_i32 = arith.constant 0 : i32
    %c0_i32_0 = arith.constant 0 : i32
    %c0_i32_1 = arith.constant 0 : i32
    return %c0_i32, %c0_i32_0 : i32, i32
  }
  func.func @transform_3(%arg0: i32) -> i32 {
    %c0_i32 = arith.constant 0 : i32
    %c0_i32_0 = arith.constant 0 : i32
    return %c0_i32 : i32
  }
  func.func @transform_4(%arg0: i32) -> (i32, i32) {
    %c0_i32 = arith.constant 0 : i32
    %c0_i32_0 = arith.constant 0 : i32
    return %arg0, %c0_i32 : i32, i32
  }
}

module attributes {stable_mosaic.version = 14 : i64} {
  func.func @_layer_body(%arg0: i32, %arg1: memref<2x2000x128xf32, #tpu.memory_space<vmem>>, %arg2: memref<2000x128xf32, #tpu.memory_space<vmem>>, %arg3: memref<128x64xf32, #tpu.memory_space<vmem>>, %arg4: memref<64xf32, #tpu.memory_space<vmem>>, %arg5: memref<2000x64xf32, #tpu.memory_space<vmem>>) attributes {dimension_semantics = [#tpu.dimension_semantics<arbitrary>], iteration_bounds = array<i64: 5>, scalar_prefetch = 0 : i64, scratch_operands = 0 : i64, tpu.core_type = #tpu.core_type<tc>, window_params = [{transform_indices = @transform_0, window_bounds = array<i64: 2, 2000, 128>}, {transform_indices = @transform_1, window_bounds = array<i64: 2000, 128>}, {pipeline_mode = #tpu.pipeline_mode<synchronous>, transform_indices = @transform_2, window_bounds = array<i64: 128, 64>}, {pipeline_mode = #tpu.pipeline_mode<synchronous>, transform_indices = @transform_3, window_bounds = array<i64: 64>}, {transform_indices = @transform_4, window_bounds = array<i64: 2000, 64>}]} {
    %get3A = arith.constant 0 : index
    %get3A_0 = arith.constant 0 : index
    %get3A_1 = arith.constant 0 : index
    %get3A_2 = vector.load %arg1[%get3A, %get3A_0, %get3A_1] : memref<2x2000x128xf32, #tpu.memory_space<vmem>>, vector<2x2000x128xf32>
    %slice3A = vector.extract_strided_slice %get3A_2 {offsets = [0, 0, 0], sizes = [1, 2000, 128], strides = [1, 1, 1]} : vector<2x2000x128xf32> to vector<1x2000x128xf32>
    %squeeze3A = vector.shape_cast %slice3A : vector<1x2000x128xf32> to vector<2000x128xf32>
    %slice3A_3 = vector.extract_strided_slice %get3A_2 {offsets = [1, 0, 0], sizes = [1, 2000, 128], strides = [1, 1, 1]} : vector<2x2000x128xf32> to vector<1x2000x128xf32>
    %squeeze3A_4 = vector.shape_cast %slice3A_3 : vector<1x2000x128xf32> to vector<2000x128xf32>
    %add3A = arith.addf %squeeze3A, %squeeze3A_4 : vector<2000x128xf32>
    %get3A_5 = arith.constant 0 : index
    %get3A_6 = arith.constant 0 : index
    %get3A_7 = vector.load %arg2[%get3A_5, %get3A_6] : memref<2000x128xf32, #tpu.memory_space<vmem>>, vector<2000x128xf32>
    %mul3A = arith.mulf %add3A, %get3A_7 : vector<2000x128xf32>
    %get3A_8 = arith.constant 0 : index
    %get3A_9 = arith.constant 0 : index
    %get3A_10 = vector.load %arg3[%get3A_8, %get3A_9] : memref<128x64xf32, #tpu.memory_space<vmem>>, vector<128x64xf32>
    %dot_general3A = arith.constant dense<0.000000e+00> : vector<2000x64xf32>
    %dot_general3A_11 = tpu.matmul %mul3A, %get3A_10, %dot_general3A {dimension_numbers = #tpu.dot_dimension_numbers<[1], [0], [0], [1], [0, 0, 1, 1], [], []>, transpose_lhs_hint = false} : vector<2000x128xf32>, vector<128x64xf32>, vector<2000x64xf32> -> vector<2000x64xf32>
    %get3A_12 = arith.constant 0 : index
    %get3A_13 = vector.load %arg4[%get3A_12] : memref<64xf32, #tpu.memory_space<vmem>>, vector<64xf32>
    %broadcast_in_dim3A = vector.shape_cast %get3A_13 : vector<64xf32> to vector<1x64xf32>
    %add3A_14 = vector.broadcast %broadcast_in_dim3A : vector<1x64xf32> to vector<2000x64xf32>
    %add3A_15 = arith.addf %dot_general3A_11, %add3A_14 : vector<2000x64xf32>
    %swap3A = arith.constant 0 : index
    %swap3A_16 = arith.constant 0 : index
    %swap3A_17 = vector.load %arg5[%swap3A, %swap3A_16] : memref<2000x64xf32, #tpu.memory_space<vmem>>, vector<2000x64xf32>
    tpu.vector_store %arg5[%swap3A, %swap3A_16], %add3A_15 {strides = array<i32>} : memref<2000x64xf32, #tpu.memory_space<vmem>>, vector<2000x64xf32>,
    return
  }
  func.func @transform_0(%arg0: i32) -> (i32, i32, i32) {
    %c0_i32 = arith.constant 0 : i32
    %c0_i32_0 = arith.constant 0 : i32
    %c0_i32_1 = arith.constant 0 : i32
    return %c0_i32, %arg0, %c0_i32_0 : i32, i32, i32
  }
  func.func @transform_1(%arg0: i32) -> (i32, i32) {
    %c0_i32 = arith.constant 0 : i32
    %c0_i32_0 = arith.constant 0 : i32
    return %arg0, %c0_i32 : i32, i32
  }
  func.func @transform_2(%arg0: i32) -> (i32, i32) {
    %c0_i32 = arith.constant 0 : i32
    %c0_i32_0 = arith.constant 0 : i32
    %c0_i32_1 = arith.constant 0 : i32
    return %c0_i32, %c0_i32_0 : i32, i32
  }
  func.func @transform_3(%arg0: i32) -> i32 {
    %c0_i32 = arith.constant 0 : i32
    %c0_i32_0 = arith.constant 0 : i32
    return %c0_i32 : i32
  }
  func.func @transform_4(%arg0: i32) -> (i32, i32) {
    %c0_i32 = arith.constant 0 : i32
    %c0_i32_0 = arith.constant 0 : i32
    return %arg0, %c0_i32 : i32, i32
  }
}

</mosaic_0001>

<sc_bundles>
// kernel: kernel.12.cloned.1.call-start
scs
__scs_entry_jumppad:
0x0: {  	(pc) =	sbr.rel $0x88, $3  }
0x1: {  	(tag) =	ssettag $0x0;
	lr =	simm.s32 $0x1  }
0x2: {  	[smem:$0x3F97] =	sst lr;
	_ =	strace $0xD0000000  }
0x3: {  	_ = 	snop  }
0x4: {  	_ = 	snop  }
0x5: {  	_ = 	snop  }
0x6: {  	_ = 	snop  }
0x7: {  	_ = 	snop  }
__scs_overlays_trampoline_lowered:
0x8: {  	[smem:$0x3FA6] =	sst s0  }
0x9: {  	[smem:$0x3FA7] =	sst s1  }
0xa: {  	[smem:$0x3FA8] =	sst s2  }
0xb: {  	[smem:$0x3FA9] =	sst s3  }
0xc: {  	[smem:$0x3FAA] =	sst s4  }
0xd: {  	[smem:$0x3FAB] =	sst s5  }
0xe: {  	[smem:$0x3FAC] =	sst s6  }
0xf: {  	[smem:$0x3FAD] =	sst s7  }
0x10: {  	[smem:$0x3FAE] =	sst s8  }
0x11: {  	[smem:$0x3FAF] =	sst s9;
	s0 =	simm.s32 @!p0 $0x0  }
0x12: {  	s1 =	sld [smem:$0x3F95];
	s0 =	simm.s32 @p0 $0x1  }
0x13: {  	[smem:$0x3FB0] =	sst s0;
	s0 =	simm.s32 @!p1 $0x0  }
0x14: {  	s2 =	sld [smem:$0x3F94];
	s0 =	simm.s32 @p1 $0x1  }
0x15: {  	[smem:$0x3FB1] =	sst s0;
	s0 =	simm.s32 @!p2 $0x0  }
0x16: {  	s3 =	sld [smem:$0x3FDB];
	s0 =	simm.s32 @p2 $0x1  }
0x17: {  	s4 =	simm.s32 $0x1BF5;
	[smem:$0x3FB3] =	sst s0  }
0x18: {  	s0 =	sld [smem:$0x3F96];
	_ =	swait.ge [sflag:s4], $0x0  }
0x19: {  	s7 =	sld [smem:$0x3F97]  }
0x1a: {  	s8 =	sadd.s32 $0xFFFFE003, lr  }
0x1b: {  	s9 =	sadd.s32 $0xFFFFFEF7, lr;
	s5 =	simm.s32 $0xFFFFFFFF;
	p2 =	slt.u32 s8, $0xFFFFF086  }
0x1c: {  	p1 =	slt.u32 s9, $0xF7A;
	s5 =	simm.s32 @!p2 $0x0  }
0x1d: {  	s5 =	simm.s32 @p1 $0x1;
	p0 =	seq.s32 s7, s2  }
0x1e: {  	s7 =	smul.u32 @!p0 $0xF7A, s2;
	p2 =	seq.s32 @!p0 s5, $0x0  }
0x1f: {  	s9 =	smul.u32 $0xF7A, s1;
	s8 =	simm.s32 @!p0 $0x1BF5;
	p2 =	por !p2, p0  }
0x20: {  	[sflag:s8] =	ssyncset.s32 @!p0 $0xFFFFF086;
	s6 =	sadd.s32 @!p0 s3, s7;
	s7 =	simm.s32 @!p0 $0x108  }
0x21: {  	s3 =	sadd.s32 s3, s9;
	s6 =	sadd.s32 @!p0 $0x88, s6;
	s7 =	simm.s32 @p2 $0x1082  }
0x22: {  	[simem:s7], [sflag:s8] =	dma.local @!p0 [hbm:s6], $0xF7A  }
0x23: {  	s9 =	sor.u32 $0xD0000000, s2;
	s6 =	simm.s32 $0x108;
	_ =	swait.ge @!p0 [sflag:s8], $0x0  }
0x24: {  	s3 =	sadd.s32 $0x88, s3;
	s6 =	simm.s32 @!p1 $0x1082;
	[sflag:s4] =	ssyncset.s32 $0xFFFFF086  }
0x25: {  	[simem:s6], [sflag:s4] =	dma.local [hbm:s3], $0xF7A  }
0x26: {  	[smem:$0x3F97] =	sst s1;
	(tag) =	ssettag s2;
	_ =	strace s9  }
0x27: {  	s1 =	sld [smem:$0x3FA7]  }
0x28: {  	s2 =	sld [smem:$0x3FA8]  }
0x29: {  	s4 =	sld [smem:$0x3FAA]  }
0x2a: {  	p0 =	seq.s32 s5, $0x0;
	s5 =	sld [smem:$0x3FAB]  }
0x2b: {  	s6 =	sld [smem:$0x3FAC]  }
0x2c: {  	s7 =	sld [smem:$0x3FAD]  }
0x2d: {  	s3 =	simm.s32 $0x108;
	s8 =	sld [smem:$0x3FAE]  }
0x2e: {  	s3 =	simm.s32 @!p0 $0x1082;
	s9 =	sld [smem:$0x3FAF]  }
0x2f: {  	lr =	sadd.s32 s0, s3;
	s0 =	sld [smem:$0x3FA6]  }
0x30: {  	s3 =	sld [smem:$0x3FA9]  }
0x31: {  	[smem:$0x3FB2] =	sst s10  }
0x32: {  	s10 =	sld [smem:$0x3FB0];
	_ =	sdelay $0x3  }
0x33: {  	p0 =	seq.s32 s10, $0x1;
	s10 =	sld [smem:$0x3FB2];
	_ =	sdelay $0x3  }
0x34: {  	[smem:$0x3FB2] =	sst s10  }
0x35: {  	s10 =	sld [smem:$0x3FB1];
	_ =	sdelay $0x3  }
0x36: {  	p1 =	seq.s32 s10, $0x1;
	s10 =	sld [smem:$0x3FB2];
	_ =	sdelay $0x3  }
0x37: {  	[smem:$0x3FB2] =	sst s10  }
0x38: {  	s10 =	sld [smem:$0x3FB3]  }
0x39: {  	_ = 	snop;
	(pc) =	sbr.ind lr, $3  }
0x3a: {  	_ = 	snop  }
0x3b: {  	_ = 	snop  }
0x3c: {  	p2 =	seq.s32 s10, $0x1;
	s10 =	sld [smem:$0x3FB2]  }
0x3d: {  	_ =	shalt  }
0x3e: {  	_ =	shalt  }
0x3f: {  	_ =	shalt  }
0x40: {  	_ =	shalt  }
0x41: {  	_ =	shalt  }
0x42: {  	_ =	shalt  }
0x43: {  	_ =	shalt  }
0x44: {  	_ =	shalt  }
0x45: {  	_ =	shalt  }
0x46: {  	_ =	shalt  }
0x47: {  	_ =	shalt  }
0x48: {  	_ =	shalt  }
0x49: {  	_ =	shalt  }
0x4a: {  	_ =	shalt  }
0x4b: {  	_ =	shalt  }
0x4c: {  	_ =	shalt  }
0x4d: {  	_ =	shalt  }
0x4e: {  	_ =	shalt  }
0x4f: {  	_ =	shalt  }
0x50: {  	_ =	shalt  }
0x51: {  	_ =	shalt  }
0x52: {  	_ =	shalt  }
0x53: {  	_ =	shalt  }
0x54: {  	_ =	shalt  }
0x55: {  	_ =	shalt  }
0x56: {  	_ =	shalt  }
0x57: {  	_ =	shalt  }
0x58: {  	_ =	shalt  }
0x59: {  	_ =	shalt  }
0x5a: {  	_ =	shalt  }
0x5b: {  	_ =	shalt  }
0x5c: {  	_ =	shalt  }
0x5d: {  	_ =	shalt  }
0x5e: {  	_ =	shalt  }
0x5f: {  	_ =	shalt  }
0x60: {  	_ =	shalt  }
0x61: {  	_ =	shalt  }
0x62: {  	_ =	shalt  }
0x63: {  	_ =	shalt  }
0x64: {  	_ =	shalt  }
0x65: {  	_ =	shalt  }
0x66: {  	_ =	shalt  }
0x67: {  	_ =	shalt  }
0x68: {  	_ =	shalt  }
0x69: {  	_ =	shalt  }
0x6a: {  	_ =	shalt  }
0x6b: {  	_ =	shalt  }
0x6c: {  	_ =	shalt  }
0x6d: {  	_ =	shalt  }
0x6e: {  	_ =	shalt  }
0x6f: {  	_ =	shalt  }
0x70: {  	_ =	shalt  }
0x71: {  	_ =	shalt  }
0x72: {  	_ =	shalt  }
0x73: {  	_ =	shalt  }
0x74: {  	_ =	shalt  }
0x75: {  	_ =	shalt  }
0x76: {  	_ =	shalt  }
0x77: {  	_ =	shalt  }
0x78: {  	_ =	shalt  }
0x79: {  	_ =	shalt  }
0x7a: {  	_ =	shalt  }
0x7b: {  	_ =	shalt  }
0x7c: {  	_ =	shalt  }
0x7d: {  	_ =	shalt  }
0x7e: {  	_ =	shalt  }
0x7f: {  	_ =	shalt  }
0x80: {  	_ =	shalt  }
0x81: {  	_ =	shalt  }
0x82: {  	_ =	shalt  }
0x83: {  	_ =	shalt  }
0x84: {  	_ =	shalt  }
0x85: {  	_ =	shalt  }
0x86: {  	_ =	shalt  }
0x87: {  	_ =	shalt  }
.Lfunc_end0:
.L_simem_size_0:
called_computation_lowered:
.L_overlay_start_0:
0x88: {  	s2 =	sld [smem:$0x3FD9]  }
0x89: {  	s3 =	sld [smem:$0x3FFE];
	_ =	sdelay $0x1  }
0x8a: {  	s1 =	srdreg.scid  }
0x8b: {  	s0 =	sand.u32 $0x1, s1  }
0x8c: {  	s17 =	sshll.u32 s0, $0xA;
	s2 =	sadd.s32 s3, s2  }
0x8d: {  	s2 =	sadd.s32 s2, s17  }
0x8e: {  	[smem:$0x3FBE] =	sst s2  }
0x8f: {  	_ = 	snop  }
0x90: {  	s2 =	sld [smem:$0x3FD0];
	(tm) =	ssettm $0x1  }
0x91: {  	s18 =	sld [smem:$0x3FFB];
	_ =	sdelay $0x3  }
0x92: {  	_ =	strace s18  }
0x93: {  	s3 =	sld [smem:$0x3FFC];
	_ =	sdelay $0x3  }
0x94: {  	_ =	strace s3  }
0x95: {  	s3 =	sld [smem:$0x3FFD];
	_ =	sdelay $0x3  }
0x96: {  	_ =	strace s3  }
0x97: {  	_ =	strace $0x8FFFFFFF  }
0x98: {  	s19 =	sld [smem:$0x3FDB];
	_ =	sdelay $0x1  }
0x99: {  	s4 =	simm.s32 $_scs_section_size  }
0x9a: {  	s5 =	simm.s32 $_size__tile_overlayer_lowered;
	s6 =	simm.s32 $_tile_overlayer_lowered  }
0x9b: {  	s22 =	simm.s32 $0x1BFF;
	s21 =	sshll.u32 s6, $0x1;
	s3 =	sadd.s32 s4, s19  }
0x9c: {  	s7 =	simm.s32 $0x0;
	s20 =	sshll.u32 s5, $0x1;
	s5 =	sadd.s32 s21, s3  }
0x9d: {  	[timem:s7], [sflag:s22] =	dma.local [hbm:s5], s20  }
0x9e: {  	_ =	swait.ge [sflag:s22], s20  }
0x9f: {  	s4 =	ssub.s32 $0x0, s20;
	[sflag:s22] =	ssyncset.done $0x0  }
0xa0: {  	[sflag:s22] =	ssyncadd.s32 s4;
	_ =	sdelay $0x1  }
0xa1: {  	s23 =	simm.s32 $0x1B8B  }
0xa2: {  	_ =	swait.ge [sflag:s23], $0x1  }
0xa3: {  	[sflag:s23] =	ssyncset.done $0x0  }
0xa4: {  	s25 =	simm.s32 $0x1B8E;
	s24 =	sld [smem:$0x3FFE];
	[sflag:s23] =	ssyncadd.s32 $0xFFFFFFFF  }
0xa5: {  	s26 =	simm.s32 $execute0_lowered;
	[smem:$0x3FD2] =	sst s25  }
0xa6: {  	s5 =	sshll.u32 s26, $0x1;
	_ =	strace $0x80000046;
	[dreg:$0x1] =	wrdreg $0xFFFFFFFF  }
0xa7: {  	s28 =	simm.s32 $_size_execute0_lowered;
	s3 =	sadd.s32 s3, s5;
	[dreg:$0x0] =	wrdreg $0x0  }
0xa8: {  	s5 =	sshll.u32 s28, $0x1;
	[dreg:$0x2] =	wrdreg s3  }
0xa9: {  	[dreg:$0x3] =	wrdreg s5  }
0xaa: {  	[dreg:$0x4] =	wrdreg $0xC0  }
0xab: {  	_ =	task [dreg:s7], $0x5FFFF  }
0xac: {  	[dreg:$0x1] =	wrdreg $0xFFFFFFFF  }
0xad: {  	[dreg:$0x0] =	wrdreg $0x60  }
0xae: {  	[dreg:$0x2] =	wrdreg s2  }
0xaf: {  	[dreg:$0x3] =	wrdreg s24  }
0xb0: {  	[dreg:$0x4] =	wrdreg $0x68000  }
0xb1: {  	[dreg:$0x5] =	wrdreg $0x9  }
0xb2: {  	_ =	task.clear_ibuf [dreg:s7], $0x6FFFF;
	_ =	strace $0x90000046  }
0xb3: {  	s29 =	simm.s32 $0x9;
	_ =	strace $0x80000048  }
0xb4: {  	_ =	swait.ge [sflag:s29], $0x1  }
0xb5: {  	[sflag:s29] =	ssyncadd.s32 $0xFFFFFFFF  }
0xb6: {  	_ =	strace $0x90000048  }
0xb7: {  	_ =	sfence  }
0xb8: {  	s30 =	sld [smem:$0x0];
	_ =	sdelay $0x2  }
0xb9: {  	s31 =	sshll.u32 s1, $0xD;
	s1 =	sshrl.u32 s1, $0x2  }
0xba: {  	s3 =	sand.u32 $0x4000, s31;
	s1 =	sadd.s32 s1, s30  }
0xbb: {  	s0 =	sor.u32 s3, s0;
	s1 =	sshll.u32 s1, $0x11  }
0xbc: {  	s0 =	sor.u32 s1, s0  }
0xbd: {  	s0 =	sadd.s32 $0x8F2B, s0  }
0xbe: {  	[sflag:s0] =	ssyncadd.remote.s32 $0x1  }
0xbf: {  	_ =	sfence.sel $0xFFFF  }
0xc0: {  	[dreg:$0x0] =	wrdreg $0xFFFFFFFF;
	(pc) =	sbr.abs _section_cstart, $3  }
0xc1: {  	[dreg:$0x1] =	wrdreg $0xFFFFFFFF  }
0xc2: {  	_ =	task.clear_ibuf [dreg:s7], $0x2FFFF;
	_ =	strace $0x9FFFFFFF  }
0xc3: {  	(tm) =	ssettm $0x7FFFFFFF  }
tec
execute0_lowered:
.L_overlay_start_1:
0x0: {  	(tag) =	ssettag $0x1  }
0x1: {  	s7 =	rddreg [dreg:$0x0]  }
0x2: {  	s6 =	rddreg [dreg:$0x1]  }
0x3: {  	s1 =	rddreg [dreg:$0x2]  }
0x4: {  	s2 =	srdreg.scid;
	s0 =	rddreg [dreg:$0x3];
	s3 =	simm.s32 $0x0  }
0x5: {  	s12 =	simm.s32 $0x2800;
	s13 =	simm.s32 $0x80;
	s8 =	sand.u32 $0x1, s2  }
0x6: {  	s14 =	simm.s32 $0x0;
	s2 =	stileid.u32;
	s9 =	smul.u32 $0x13C000, s8  }
0x7: {  	[smem:$0x7FF] =	sst s3;
	s4 =	sadd.s32 $0x6400, s6;
	s10 =	smul.u32 $0x13C00, s2  }
0x8: {  	s5 =	sadd.s32 $0x3C00, s6;
	_ =	strace $0x80000047;
	s26 =	smul.u32 $0x4F000, s2  }
0x9: {  	s11 =	sshll.u32 s8, $0x4;
	s28 =	ssub.s32 $0x2, s8;
	s31 =	sshll.u32 s2, $0x6  }
0xa: {  	s29 =	sor.u32 s2, s11;
	s30 =	sshrl.u32 s28, $0x1;
	s9 =	sadd.s32 s10, s9  }
0xb: {  	s10 =	sshrl.u32 s26, $0x2;
	s8 =	smul.u32 $0x500, s29;
	s9 =	sshrl.u32 s9, $0x3  }
0xc: {  	s11 =	ssub.s32 s28, s30;
	s10 =	sadd.s32 s10, s1;
	s9 =	sadd.s32 s9, s6  }
0xd: {  	s6 =	sor.u32 $0x1C01, s31;
	s7 =	sadd.s32 s7, s8;
	s10 =	sshrl.u32 s10, $0x3  }
0xe: {  	s8 =	sadd.s32 $0x6C00, s9;
	s9 =	smax.u32 s11, $0x1;
	s11 =	simm.s32 $0x1  }
.LBB2_1:
0xf: {  	[spmem:s10], [sflag:s6] =	dma.local [hbm:s5], $0x2780  }
0x10: {  	_ =	swait.ge [sflag:s11], $0x2780  }
0x11: {  	[sflag:s11] =	ssyncset.done $0x0  }
0x12: {  	[sflag:s11] =	ssyncadd.s32 $0xFFFFD880  }
0x13: {  	[tilespmem:s3], [sflag:$0x1] =	stream.linear.gather [hbm4b:s7+s3], $0x2780, $0x38;
	[tilespmem:$0x1A400] =	vst v63  }
0x14: {  	_ =	swait.ge [sflag:s11], $0x2780  }
0x15: {  	[sflag:s11] =	ssyncset.done $0x0  }
0x16: {  	[sflag:s11] =	ssyncadd.s32 $0xFFFFD880  }
0x17: {  	[tilespmem:s12], [sflag:$0x1] =	stream.linear.gather [hbm4b:s4+s3], $0x4000, $0x38;
	[tilespmem:$0x1A400] =	vst v63  }
0x18: {  	_ =	swait.ge [sflag:s11], $0x4000  }
0x19: {  	[sflag:s11] =	ssyncset.done $0x0  }
0x1a: {  	[sflag:s11] =	ssyncadd.s32 $0xFFFFC000  }
0x1b: {  	s15 =	simm.s32 $0x0;
	[bflag:$0x0] =	sbarrier.arrive $0xFFFF  }
0x1c: {  	[spmem:s1] =	stream.indirect.scatter.add.f32 [tilespmem:s12], [sflag:$0x1], $0x80, s15, s13, $0xb8;
	[tilespmem:$0x1A400] =	vst v63  }
0x1d: {  	_ =	swait.ge [sflag:s11], $0x4000  }
0x1e: {  	s15 =	simm.s32 $0x200;
	[sflag:s11] =	ssyncset.done $0x0  }
.LBB2_2:
0x1f: {  	s16 =	sshra.s32 s15, $0x2;
	[sflag:s11] =	ssyncadd.s32 $0xFFFFC000;
	p0 =	sne.s32 s15, $0x9C00  }
0x20: {  	[spmem:s1] =	stream.indirect.scatter.add.f32 [tilespmem:s12], [sflag:$0x1], $0x80, s16, s13, $0xb8;
	[tilespmem:$0x1A400] =	vst v63  }
.Ltmp0:
0x21: {  	_ = 	snop;
	(pc) =	sbr.rel @p0 .LBB2_2-.Ltmp0, $4  }
0x22: {  	_ = 	snop  }
0x23: {  	s15 =	sadd.s32 $0x200, s15  }
0x24: {  	_ =	swait.ge [sflag:s11], $0x4000  }
0x25: {  	[sflag:s11] =	ssyncset.done $0x0  }
0x26: {  	s14 =	sadd.s32 $0x1, s14  }
0x27: {  	[sflag:s11] =	ssyncadd.s32 $0xFFFFC000;
	p0 =	sne.s32 s14, s9  }
.Ltmp1:
0x28: {  	[bflag:$0x0] =	sbarrier.arrive $0xFFFF;
	(pc) =	sbr.rel @p0 .LBB2_1-.Ltmp1, $4  }
0x29: {  	[hbm:s8], [sflag:s6] =	dma.local [spmem:s10], $0x2780  }
0x2a: {  	_ =	swait.ge [sflag:s11], $0x2780  }
0x2b: {  	[sflag:s11] =	ssyncset.done $0x0  }
0x2c: {  	[sflag:s11] =	ssyncadd.s32 $0xFFFFD880  }
0x2d: {  	_ =	sfence.sel $0x180000  }
0x2e: {  	[bflag:$0x0] =	sbarrier.arrive $0xFFFF  }
0x2f: {  	p0 =	sne.s32 s2, $0x0;
	_ =	strace $0x90000047  }
0x30: {  	s0 =	sadd.s32 @!p0 $0x100000, s0;
	[bflag:$0x2] =	sbarrier.arrive $0xFFFF  }
0x31: {  	[sflag:s0] =	ssyncadd.tile.s32 @!p0 $0x1;
	_ =	shalt  }
.Lfunc_end2:
_tile_overlayer_lowered:
.L_overlay_start_2:
0x32: {  	(tag) =	ssettag $0x2  }
0x33: {  	s0 =	rddreg [dreg:$0x0];
	s2 =	stileid.u32  }
0x34: {  	s1 =	rddreg [dreg:$0x1];
	p0 =	sne.s32 s2, $0x0  }
0x35: {  	s3 =	rddreg [dreg:$0x2];
	[bflag:$0x3] =	sbarrier.arrive $0xFFFF;
	s2 =	simm.s32 @!p0 $0x1C01  }
0x36: {  	[timem:s3], [sflag:s2] =	dma.local @!p0 [hbm:s0], s1  }
0x37: {  	s0 =	simm.s32 @!p0 $0x1  }
0x38: {  	_ =	swait.ge @!p0 [sflag:s0], s1  }
0x39: {  	s1 =	ssub.s32 @!p0 $0x0, s1;
	[sflag:s0] =	ssyncset.done @!p0 $0x0  }
0x3a: {  	[sflag:s0] =	ssyncadd.s32 @!p0 s1  }
0x3b: {  	[bflag:$0x3] =	sbarrier.arrive $0xFFFF  }
0x3c: {  	_ =	shalt  }

// kernel: kernel.15.cloned.1.call-start
scs
__scs_entry_jumppad:
0x0: {  	(pc) =	sbr.rel $0x88, $3  }
0x1: {  	(tag) =	ssettag $0x0;
	lr =	simm.s32 $0x1  }
0x2: {  	[smem:$0x3F97] =	sst lr;
	_ =	strace $0xD0000000  }
0x3: {  	_ = 	snop  }
0x4: {  	_ = 	snop  }
0x5: {  	_ = 	snop  }
0x6: {  	_ = 	snop  }
0x7: {  	_ = 	snop  }
__scs_overlays_trampoline_lowered:
0x8: {  	[smem:$0x3FA6] =	sst s0  }
0x9: {  	[smem:$0x3FA7] =	sst s1  }
0xa: {  	[smem:$0x3FA8] =	sst s2  }
0xb: {  	[smem:$0x3FA9] =	sst s3  }
0xc: {  	[smem:$0x3FAA] =	sst s4  }
0xd: {  	[smem:$0x3FAB] =	sst s5  }
0xe: {  	[smem:$0x3FAC] =	sst s6  }
0xf: {  	[smem:$0x3FAD] =	sst s7  }
0x10: {  	[smem:$0x3FAE] =	sst s8  }
0x11: {  	[smem:$0x3FAF] =	sst s9;
	s0 =	simm.s32 @!p0 $0x0  }
0x12: {  	s1 =	sld [smem:$0x3F95];
	s0 =	simm.s32 @p0 $0x1  }
0x13: {  	[smem:$0x3FB0] =	sst s0;
	s0 =	simm.s32 @!p1 $0x0  }
0x14: {  	s2 =	sld [smem:$0x3F94];
	s0 =	simm.s32 @p1 $0x1  }
0x15: {  	[smem:$0x3FB1] =	sst s0;
	s0 =	simm.s32 @!p2 $0x0  }
0x16: {  	s3 =	sld [smem:$0x3FDB];
	s0 =	simm.s32 @p2 $0x1  }
0x17: {  	s4 =	simm.s32 $0x1BF5;
	[smem:$0x3FB3] =	sst s0  }
0x18: {  	s0 =	sld [smem:$0x3F96];
	_ =	swait.ge [sflag:s4], $0x0  }
0x19: {  	s7 =	sld [smem:$0x3F97]  }
0x1a: {  	s8 =	sadd.s32 $0xFFFFE003, lr  }
0x1b: {  	s9 =	sadd.s32 $0xFFFFFEF7, lr;
	s5 =	simm.s32 $0xFFFFFFFF;
	p2 =	slt.u32 s8, $0xFFFFF086  }
0x1c: {  	p1 =	slt.u32 s9, $0xF7A;
	s5 =	simm.s32 @!p2 $0x0  }
0x1d: {  	s5 =	simm.s32 @p1 $0x1;
	p0 =	seq.s32 s7, s2  }
0x1e: {  	s7 =	smul.u32 @!p0 $0xF7A, s2;
	p2 =	seq.s32 @!p0 s5, $0x0  }
0x1f: {  	s9 =	smul.u32 $0xF7A, s1;
	s8 =	simm.s32 @!p0 $0x1BF5;
	p2 =	por !p2, p0  }
0x20: {  	[sflag:s8] =	ssyncset.s32 @!p0 $0xFFFFF086;
	s6 =	sadd.s32 @!p0 s3, s7;
	s7 =	simm.s32 @!p0 $0x108  }
0x21: {  	s3 =	sadd.s32 s3, s9;
	s6 =	sadd.s32 @!p0 $0x88, s6;
	s7 =	simm.s32 @p2 $0x1082  }
0x22: {  	[simem:s7], [sflag:s8] =	dma.local @!p0 [hbm:s6], $0xF7A  }
0x23: {  	s9 =	sor.u32 $0xD0000000, s2;
	s6 =	simm.s32 $0x108;
	_ =	swait.ge @!p0 [sflag:s8], $0x0  }
0x24: {  	s3 =	sadd.s32 $0x88, s3;
	s6 =	simm.s32 @!p1 $0x1082;
	[sflag:s4] =	ssyncset.s32 $0xFFFFF086  }
0x25: {  	[simem:s6], [sflag:s4] =	dma.local [hbm:s3], $0xF7A  }
0x26: {  	[smem:$0x3F97] =	sst s1;
	(tag) =	ssettag s2;
	_ =	strace s9  }
0x27: {  	s1 =	sld [smem:$0x3FA7]  }
0x28: {  	s2 =	sld [smem:$0x3FA8]  }
0x29: {  	s4 =	sld [smem:$0x3FAA]  }
0x2a: {  	p0 =	seq.s32 s5, $0x0;
	s5 =	sld [smem:$0x3FAB]  }
0x2b: {  	s6 =	sld [smem:$0x3FAC]  }
0x2c: {  	s7 =	sld [smem:$0x3FAD]  }
0x2d: {  	s3 =	simm.s32 $0x108;
	s8 =	sld [smem:$0x3FAE]  }
0x2e: {  	s3 =	simm.s32 @!p0 $0x1082;
	s9 =	sld [smem:$0x3FAF]  }
0x2f: {  	lr =	sadd.s32 s0, s3;
	s0 =	sld [smem:$0x3FA6]  }
0x30: {  	s3 =	sld [smem:$0x3FA9]  }
0x31: {  	[smem:$0x3FB2] =	sst s10  }
0x32: {  	s10 =	sld [smem:$0x3FB0];
	_ =	sdelay $0x3  }
0x33: {  	p0 =	seq.s32 s10, $0x1;
	s10 =	sld [smem:$0x3FB2];
	_ =	sdelay $0x3  }
0x34: {  	[smem:$0x3FB2] =	sst s10  }
0x35: {  	s10 =	sld [smem:$0x3FB1];
	_ =	sdelay $0x3  }
0x36: {  	p1 =	seq.s32 s10, $0x1;
	s10 =	sld [smem:$0x3FB2];
	_ =	sdelay $0x3  }
0x37: {  	[smem:$0x3FB2] =	sst s10  }
0x38: {  	s10 =	sld [smem:$0x3FB3]  }
0x39: {  	_ = 	snop;
	(pc) =	sbr.ind lr, $3  }
0x3a: {  	_ = 	snop  }
0x3b: {  	_ = 	snop  }
0x3c: {  	p2 =	seq.s32 s10, $0x1;
	s10 =	sld [smem:$0x3FB2]  }
0x3d: {  	_ =	shalt  }
0x3e: {  	_ =	shalt  }
0x3f: {  	_ =	shalt  }
0x40: {  	_ =	shalt  }
0x41: {  	_ =	shalt  }
0x42: {  	_ =	shalt  }
0x43: {  	_ =	shalt  }
0x44: {  	_ =	shalt  }
0x45: {  	_ =	shalt  }
0x46: {  	_ =	shalt  }
0x47: {  	_ =	shalt  }
0x48: {  	_ =	shalt  }
0x49: {  	_ =	shalt  }
0x4a: {  	_ =	shalt  }
0x4b: {  	_ =	shalt  }
0x4c: {  	_ =	shalt  }
0x4d: {  	_ =	shalt  }
0x4e: {  	_ =	shalt  }
0x4f: {  	_ =	shalt  }
0x50: {  	_ =	shalt  }
0x51: {  	_ =	shalt  }
0x52: {  	_ =	shalt  }
0x53: {  	_ =	shalt  }
0x54: {  	_ =	shalt  }
0x55: {  	_ =	shalt  }
0x56: {  	_ =	shalt  }
0x57: {  	_ =	shalt  }
0x58: {  	_ =	shalt  }
0x59: {  	_ =	shalt  }
0x5a: {  	_ =	shalt  }
0x5b: {  	_ =	shalt  }
0x5c: {  	_ =	shalt  }
0x5d: {  	_ =	shalt  }
0x5e: {  	_ =	shalt  }
0x5f: {  	_ =	shalt  }
0x60: {  	_ =	shalt  }
0x61: {  	_ =	shalt  }
0x62: {  	_ =	shalt  }
0x63: {  	_ =	shalt  }
0x64: {  	_ =	shalt  }
0x65: {  	_ =	shalt  }
0x66: {  	_ =	shalt  }
0x67: {  	_ =	shalt  }
0x68: {  	_ =	shalt  }
0x69: {  	_ =	shalt  }
0x6a: {  	_ =	shalt  }
0x6b: {  	_ =	shalt  }
0x6c: {  	_ =	shalt  }
0x6d: {  	_ =	shalt  }
0x6e: {  	_ =	shalt  }
0x6f: {  	_ =	shalt  }
0x70: {  	_ =	shalt  }
0x71: {  	_ =	shalt  }
0x72: {  	_ =	shalt  }
0x73: {  	_ =	shalt  }
0x74: {  	_ =	shalt  }
0x75: {  	_ =	shalt  }
0x76: {  	_ =	shalt  }
0x77: {  	_ =	shalt  }
0x78: {  	_ =	shalt  }
0x79: {  	_ =	shalt  }
0x7a: {  	_ =	shalt  }
0x7b: {  	_ =	shalt  }
0x7c: {  	_ =	shalt  }
0x7d: {  	_ =	shalt  }
0x7e: {  	_ =	shalt  }
0x7f: {  	_ =	shalt  }
0x80: {  	_ =	shalt  }
0x81: {  	_ =	shalt  }
0x82: {  	_ =	shalt  }
0x83: {  	_ =	shalt  }
0x84: {  	_ =	shalt  }
0x85: {  	_ =	shalt  }
0x86: {  	_ =	shalt  }
0x87: {  	_ =	shalt  }
.Lfunc_end0:
.L_simem_size_0:
called_computation.1_lowered:
.L_overlay_start_0:
0x88: {  	s2 =	sld [smem:$0x3FD9]  }
0x89: {  	s3 =	sld [smem:$0x3FFE];
	_ =	sdelay $0x1  }
0x8a: {  	s1 =	srdreg.scid  }
0x8b: {  	s0 =	sand.u32 $0x1, s1  }
0x8c: {  	s16 =	sshll.u32 s0, $0xA;
	s2 =	sadd.s32 s3, s2  }
0x8d: {  	s2 =	sadd.s32 s2, s16  }
0x8e: {  	[smem:$0x3FBE] =	sst s2  }
0x8f: {  	_ = 	snop  }
0x90: {  	(tm) =	ssettm $0x1  }
0x91: {  	s17 =	sld [smem:$0x3FFB];
	_ =	sdelay $0x3  }
0x92: {  	_ =	strace s17  }
0x93: {  	s2 =	sld [smem:$0x3FFC];
	_ =	sdelay $0x3  }
0x94: {  	_ =	strace s2  }
0x95: {  	s2 =	sld [smem:$0x3FFD];
	_ =	sdelay $0x3  }
0x96: {  	_ =	strace s2  }
0x97: {  	_ =	strace $0x8FFFFFFF  }
0x98: {  	s18 =	sld [smem:$0x3FDB];
	_ =	sdelay $0x1  }
0x99: {  	s19 =	simm.s32 $_scs_section_size  }
0x9a: {  	s4 =	simm.s32 $_size__tile_overlayer_lowered;
	s5 =	simm.s32 $_tile_overlayer_lowered  }
0x9b: {  	s22 =	simm.s32 $0x1BFF;
	s21 =	sshll.u32 s5, $0x1;
	s2 =	sadd.s32 s19, s18  }
0x9c: {  	s6 =	simm.s32 $0x0;
	s20 =	sshll.u32 s4, $0x1;
	s4 =	sadd.s32 s21, s2  }
0x9d: {  	[timem:s6], [sflag:s22] =	dma.local [hbm:s4], s20  }
0x9e: {  	_ =	swait.ge [sflag:s22], s20  }
0x9f: {  	s3 =	ssub.s32 $0x0, s20;
	[sflag:s22] =	ssyncset.done $0x0  }
0xa0: {  	[sflag:s22] =	ssyncadd.s32 s3;
	_ =	sdelay $0x1  }
0xa1: {  	s23 =	simm.s32 $0x1B8B  }
0xa2: {  	_ =	swait.ge [sflag:s23], $0x1  }
0xa3: {  	[sflag:s23] =	ssyncset.done $0x0  }
0xa4: {  	s25 =	simm.s32 $0x1B8E;
	s24 =	sld [smem:$0x3FFE];
	[sflag:s23] =	ssyncadd.s32 $0xFFFFFFFF  }
0xa5: {  	s26 =	simm.s32 $execute0_lowered;
	[smem:$0x3FD2] =	sst s25  }
0xa6: {  	s4 =	sshll.u32 s26, $0x1;
	_ =	strace $0x80000049;
	[dreg:$0x1] =	wrdreg $0xFFFFFFFF  }
0xa7: {  	s28 =	simm.s32 $_size_execute0_lowered;
	s2 =	sadd.s32 s2, s4;
	[dreg:$0x0] =	wrdreg $0x0  }
0xa8: {  	s4 =	sshll.u32 s28, $0x1;
	[dreg:$0x2] =	wrdreg s2  }
0xa9: {  	[dreg:$0x3] =	wrdreg s4  }
0xaa: {  	[dreg:$0x4] =	wrdreg $0xC0  }
0xab: {  	_ =	task [dreg:s6], $0x5FFFF  }
0xac: {  	[dreg:$0x1] =	wrdreg $0xFFFFFFFF  }
0xad: {  	[dreg:$0x0] =	wrdreg $0x60  }
0xae: {  	[dreg:$0x2] =	wrdreg s24  }
0xaf: {  	[dreg:$0x3] =	wrdreg $0x90000  }
0xb0: {  	[dreg:$0x4] =	wrdreg $0x9  }
0xb1: {  	_ =	task.clear_ibuf [dreg:s6], $0x5FFFF;
	_ =	strace $0x90000049  }
0xb2: {  	s29 =	simm.s32 $0x9;
	_ =	strace $0x8000004B  }
0xb3: {  	_ =	swait.ge [sflag:s29], $0x1  }
0xb4: {  	[sflag:s29] =	ssyncadd.s32 $0xFFFFFFFF  }
0xb5: {  	_ =	strace $0x9000004B  }
0xb6: {  	_ =	sfence  }
0xb7: {  	s30 =	sld [smem:$0x0];
	_ =	sdelay $0x2  }
0xb8: {  	s31 =	sshll.u32 s1, $0xD;
	s1 =	sshrl.u32 s1, $0x2  }
0xb9: {  	s3 =	sand.u32 $0x4000, s31;
	s1 =	sadd.s32 s1, s30  }
0xba: {  	s0 =	sor.u32 s3, s0;
	s1 =	sshll.u32 s1, $0x11  }
0xbb: {  	s0 =	sor.u32 s1, s0  }
0xbc: {  	s0 =	sadd.s32 $0x8F2B, s0  }
0xbd: {  	[sflag:s0] =	ssyncadd.remote.s32 $0x1  }
0xbe: {  	_ =	sfence.sel $0xFFFF  }
0xbf: {  	[dreg:$0x0] =	wrdreg $0xFFFFFFFF;
	(pc) =	sbr.abs _section_cstart, $3  }
0xc0: {  	[dreg:$0x1] =	wrdreg $0xFFFFFFFF  }
0xc1: {  	_ =	task.clear_ibuf [dreg:s6], $0x2FFFF;
	_ =	strace $0x9FFFFFFF  }
0xc2: {  	(tm) =	ssettm $0x7FFFFFFF  }
0xc3: {  	_ =	shalt  }
tec
execute0_lowered:
.L_overlay_start_1:
0x0: {  	(tag) =	ssettag $0x1  }
0x1: {  	s7 =	rddreg [dreg:$0x0]  }
0x2: {  	s0 =	srdreg.scid;
	s2 =	rddreg [dreg:$0x1]  }
0x3: {  	s3 =	simm.s32 $0x0;
	s14 =	simm.s32 $0x80;
	s15 =	simm.s32 $0x5000  }
0x4: {  	s16 =	simm.s32 $0x1;
	s6 =	sand.u32 $0x1, s0;
	s0 =	stileid.u32  }
0x5: {  	s17 =	simm.s32 $0x0;
	[smem:$0x7FF] =	sst s3;
	s8 =	smul.u32 $0x13C000, s6  }
0x6: {  	s4 =	sadd.s32 $0x6400, s7;
	s1 =	sshll.u32 s6, $0x4;
	s9 =	smul.u32 $0x13C00, s0  }
0x7: {  	s28 =	smul.u32 $0x4F000, s0;
	s6 =	ssub.s32 $0x2, s6;
	s1 =	sor.u32 s0, s1  }
0x8: {  	s31 =	sshll.u32 s0, $0x6;
	s29 =	sshrl.u32 s6, $0x1;
	s5 =	smul.u32 $0x500, s1  }
0x9: {  	s1 =	rddreg [dreg:$0x2];
	_ =	strace $0x8000004A;
	s8 =	sadd.s32 s9, s8  }
0xa: {  	s30 =	sshrl.u32 s28, $0x2;
	s12 =	ssub.s32 s6, s29;
	s6 =	sor.u32 $0x1C02, s31  }
0xb: {  	s8 =	sshrl.u32 s8, $0x3;
	s13 =	sadd.s32 s30, s2;
	s10 =	sadd.s32 s5, s7  }
0xc: {  	s5 =	sadd.s32 $0x3C00, s7;
	s11 =	sadd.s32 s8, s7;
	s7 =	sadd.s32 $0x55C00, s10  }
0xd: {  	s8 =	sadd.s32 $0x5FC00, s10;
	s9 =	sadd.s32 $0x69C00, s11;
	s10 =	smax.u32 s12, $0x1  }
0xe: {  	s11 =	sshrl.u32 s13, $0x3;
	s12 =	simm.s32 $0x2;
	s13 =	simm.s32 $0x2800  }
.LBB2_1:
0xf: {  	[spmem:s11], [sflag:s6] =	dma.local [hbm:s5], $0x2780  }
0x10: {  	_ =	swait.ge [sflag:s12], $0x2780  }
0x11: {  	[sflag:s12] =	ssyncset.done $0x0  }
0x12: {  	[sflag:s12] =	ssyncadd.s32 $0xFFFFD880  }
0x13: {  	[tilespmem:s3], [sflag:$0x2] =	stream.linear.gather [hbm4b:s7+s3], $0x2800, $0x38;
	[tilespmem:$0x1CC00] =	vst v63  }
0x14: {  	_ =	swait.ge [sflag:s12], $0x2800  }
0x15: {  	[sflag:s12] =	ssyncset.done $0x0  }
0x16: {  	[sflag:s12] =	ssyncadd.s32 $0xFFFFD800  }
0x17: {  	[tilespmem:s13], [sflag:$0x2] =	stream.linear.gather [hbm4b:s8+s3], $0x2800, $0x38;
	[tilespmem:$0x1CC00] =	vst v63  }
0x18: {  	_ =	swait.ge [sflag:s12], $0x2800  }
0x19: {  	[sflag:s12] =	ssyncset.done $0x0  }
0x1a: {  	[sflag:s12] =	ssyncadd.s32 $0xFFFFD800  }
0x1b: {  	s18 =	simm.s32 $0x0;
	[bflag:$0x0] =	sbarrier.arrive $0xFFFF  }
0x1c: {  	[tilespmem:s15], [sflag:$0x1] =	stream.indirect.gather [hbm4b:s4+s14], $0x80, s18, s14, $0xb8;
	[tilespmem:$0x1CC00] =	vst v63  }
0x1d: {  	_ =	swait.ge [sflag:s16], $0x4000  }
0x1e: {  	[sflag:s16] =	ssyncset.done $0x0  }
0x1f: {  	s31 =	simm.s32 $0x2800;
	[sflag:s16] =	ssyncadd.s32 $0xFFFFC000  }
0x20: {  	[spmem:s2] =	stream.indirect.scatter.add.f32 [tilespmem:s15], [sflag:$0x2], $0x80, s31, s14, $0xb8;
	[tilespmem:$0x1CC00] =	vst v63  }
0x21: {  	_ =	swait.ge [sflag:s12], $0x4000  }
0x22: {  	s19 =	simm.s32 $0x400;
	s18 =	simm.s32 $0x200;
	[sflag:s12] =	ssyncset.done $0x0  }
.LBB2_2:
0x23: {  	s20 =	sshra.s32 s18, $0x2  }
0x24: {  	[sflag:s12] =	ssyncadd.s32 $0xFFFFC000;
	s18 =	smov.u32 s19;
	s21 =	sadd.s32 $0x200, s19  }
0x25: {  	[tilespmem:s15], [sflag:$0x1] =	stream.indirect.gather [hbm4b:s4+s14], $0x80, s20, s14, $0xb8;
	[tilespmem:$0x1CC00] =	vst v63  }
0x26: {  	p0 =	sne.s32 s19, $0x9E00;
	_ =	swait.ge [sflag:s16], $0x4000  }
.Ltmp0:
0x27: {  	[sflag:s16] =	ssyncset.done $0x0;
	(pc) =	sbr.rel @p0 .LBB2_2-.Ltmp0, $4  }
0x28: {  	s19 =	sadd.s32 $0x2800, s20;
	[sflag:s16] =	ssyncadd.s32 $0xFFFFC000  }
0x29: {  	[spmem:s2] =	stream.indirect.scatter.add.f32 [tilespmem:s15], [sflag:$0x2], $0x80, s19, s14, $0xb8;
	[tilespmem:$0x1CC00] =	vst v63  }
0x2a: {  	_ =	swait.ge [sflag:s12], $0x4000  }
0x2b: {  	s19 =	smov.u32 s21;
	[sflag:s12] =	ssyncset.done $0x0  }
0x2c: {  	s18 =	sshra.s32 s18, $0x2;
	[sflag:s12] =	ssyncadd.s32 $0xFFFFC000  }
0x2d: {  	[tilespmem:s15], [sflag:$0x1] =	stream.indirect.gather [hbm4b:s4+s14], $0x80, s18, s14, $0xb8;
	[tilespmem:$0x1CC00] =	vst v63  }
0x2e: {  	_ =	swait.ge [sflag:s16], $0x4000  }
0x2f: {  	[sflag:s16] =	ssyncset.done $0x0  }
0x30: {  	s18 =	sadd.s32 $0x2800, s18;
	[sflag:s16] =	ssyncadd.s32 $0xFFFFC000  }
0x31: {  	[spmem:s2] =	stream.indirect.scatter.add.f32 [tilespmem:s15], [sflag:$0x2], $0x80, s18, s14, $0xb8;
	[tilespmem:$0x1CC00] =	vst v63  }
0x32: {  	_ =	swait.ge [sflag:s12], $0x4000  }
0x33: {  	s17 =	sadd.s32 $0x1, s17;
	[sflag:s12] =	ssyncset.done $0x0  }
0x34: {  	p0 =	sne.s32 s17, s10;
	[sflag:s12] =	ssyncadd.s32 $0xFFFFC000  }
.Ltmp1:
0x35: {  	[bflag:$0x0] =	sbarrier.arrive $0xFFFF;
	(pc) =	sbr.rel @p0 .LBB2_1-.Ltmp1, $4  }
0x36: {  	[hbm:s9], [sflag:s6] =	dma.local [spmem:s11], $0x2780  }
0x37: {  	_ =	swait.ge [sflag:s12], $0x2780  }
0x38: {  	[sflag:s12] =	ssyncset.done $0x0  }
0x39: {  	[sflag:s12] =	ssyncadd.s32 $0xFFFFD880  }
0x3a: {  	_ =	sfence.sel $0x180000  }
0x3b: {  	[bflag:$0x0] =	sbarrier.arrive $0xFFFF  }
0x3c: {  	p0 =	sne.s32 s0, $0x0;
	_ =	strace $0x9000004A  }
0x3d: {  	s0 =	sadd.s32 @!p0 $0x100000, s1;
	[bflag:$0x2] =	sbarrier.arrive $0xFFFF  }
0x3e: {  	[sflag:s0] =	ssyncadd.tile.s32 @!p0 $0x1;
	_ =	shalt  }
.Lfunc_end2:
_tile_overlayer_lowered:
.L_overlay_start_2:
0x3f: {  	(tag) =	ssettag $0x2  }
0x40: {  	s0 =	rddreg [dreg:$0x0];
	s2 =	stileid.u32  }
0x41: {  	s1 =	rddreg [dreg:$0x1];
	p0 =	sne.s32 s2, $0x0  }
0x42: {  	s3 =	rddreg [dreg:$0x2];
	[bflag:$0x3] =	sbarrier.arrive $0xFFFF;
	s2 =	simm.s32 @!p0 $0x1C02  }
0x43: {  	[timem:s3], [sflag:s2] =	dma.local @!p0 [hbm:s0], s1  }
0x44: {  	s0 =	simm.s32 @!p0 $0x2  }
0x45: {  	_ =	swait.ge @!p0 [sflag:s0], s1  }
0x46: {  	s1 =	ssub.s32 @!p0 $0x0, s1;
	[sflag:s0] =	ssyncset.done @!p0 $0x0  }
0x47: {  	[sflag:s0] =	ssyncadd.s32 @!p0 s1  }
0x48: {  	[bflag:$0x3] =	sbarrier.arrive $0xFFFF  }
0x49: {  	_ =	shalt  }

// kernel: kernel.18.cloned.1.call-start
scs
__scs_entry_jumppad:
0x0: {  	(pc) =	sbr.rel $0x88, $3  }
0x1: {  	(tag) =	ssettag $0x0;
	lr =	simm.s32 $0x1  }
0x2: {  	[smem:$0x3F97] =	sst lr;
	_ =	strace $0xD0000000  }
0x3: {  	_ = 	snop  }
0x4: {  	_ = 	snop  }
0x5: {  	_ = 	snop  }
0x6: {  	_ = 	snop  }
0x7: {  	_ = 	snop  }
__scs_overlays_trampoline_lowered:
0x8: {  	[smem:$0x3FA6] =	sst s0  }
0x9: {  	[smem:$0x3FA7] =	sst s1  }
0xa: {  	[smem:$0x3FA8] =	sst s2  }
0xb: {  	[smem:$0x3FA9] =	sst s3  }
0xc: {  	[smem:$0x3FAA] =	sst s4  }
0xd: {  	[smem:$0x3FAB] =	sst s5  }
0xe: {  	[smem:$0x3FAC] =	sst s6  }
0xf: {  	[smem:$0x3FAD] =	sst s7  }
0x10: {  	[smem:$0x3FAE] =	sst s8  }
0x11: {  	[smem:$0x3FAF] =	sst s9;
	s0 =	simm.s32 @!p0 $0x0  }
0x12: {  	s1 =	sld [smem:$0x3F95];
	s0 =	simm.s32 @p0 $0x1  }
0x13: {  	[smem:$0x3FB0] =	sst s0;
	s0 =	simm.s32 @!p1 $0x0  }
0x14: {  	s2 =	sld [smem:$0x3F94];
	s0 =	simm.s32 @p1 $0x1  }
0x15: {  	[smem:$0x3FB1] =	sst s0;
	s0 =	simm.s32 @!p2 $0x0  }
0x16: {  	s3 =	sld [smem:$0x3FDB];
	s0 =	simm.s32 @p2 $0x1  }
0x17: {  	s4 =	simm.s32 $0x1BF5;
	[smem:$0x3FB3] =	sst s0  }
0x18: {  	s0 =	sld [smem:$0x3F96];
	_ =	swait.ge [sflag:s4], $0x0  }
0x19: {  	s7 =	sld [smem:$0x3F97]  }
0x1a: {  	s8 =	sadd.s32 $0xFFFFE003, lr  }
0x1b: {  	s9 =	sadd.s32 $0xFFFFFEF7, lr;
	s5 =	simm.s32 $0xFFFFFFFF;
	p2 =	slt.u32 s8, $0xFFFFF086  }
0x1c: {  	p1 =	slt.u32 s9, $0xF7A;
	s5 =	simm.s32 @!p2 $0x0  }
0x1d: {  	s5 =	simm.s32 @p1 $0x1;
	p0 =	seq.s32 s7, s2  }
0x1e: {  	s7 =	smul.u32 @!p0 $0xF7A, s2;
	p2 =	seq.s32 @!p0 s5, $0x0  }
0x1f: {  	s9 =	smul.u32 $0xF7A, s1;
	s8 =	simm.s32 @!p0 $0x1BF5;
	p2 =	por !p2, p0  }
0x20: {  	[sflag:s8] =	ssyncset.s32 @!p0 $0xFFFFF086;
	s6 =	sadd.s32 @!p0 s3, s7;
	s7 =	simm.s32 @!p0 $0x108  }
0x21: {  	s3 =	sadd.s32 s3, s9;
	s6 =	sadd.s32 @!p0 $0x88, s6;
	s7 =	simm.s32 @p2 $0x1082  }
0x22: {  	[simem:s7], [sflag:s8] =	dma.local @!p0 [hbm:s6], $0xF7A  }
0x23: {  	s9 =	sor.u32 $0xD0000000, s2;
	s6 =	simm.s32 $0x108;
	_ =	swait.ge @!p0 [sflag:s8], $0x0  }
0x24: {  	s3 =	sadd.s32 $0x88, s3;
	s6 =	simm.s32 @!p1 $0x1082;
	[sflag:s4] =	ssyncset.s32 $0xFFFFF086  }
0x25: {  	[simem:s6], [sflag:s4] =	dma.local [hbm:s3], $0xF7A  }
0x26: {  	[smem:$0x3F97] =	sst s1;
	(tag) =	ssettag s2;
	_ =	strace s9  }
0x27: {  	s1 =	sld [smem:$0x3FA7]  }
0x28: {  	s2 =	sld [smem:$0x3FA8]  }
0x29: {  	s4 =	sld [smem:$0x3FAA]  }
0x2a: {  	p0 =	seq.s32 s5, $0x0;
	s5 =	sld [smem:$0x3FAB]  }
0x2b: {  	s6 =	sld [smem:$0x3FAC]  }
0x2c: {  	s7 =	sld [smem:$0x3FAD]  }
0x2d: {  	s3 =	simm.s32 $0x108;
	s8 =	sld [smem:$0x3FAE]  }
0x2e: {  	s3 =	simm.s32 @!p0 $0x1082;
	s9 =	sld [smem:$0x3FAF]  }
0x2f: {  	lr =	sadd.s32 s0, s3;
	s0 =	sld [smem:$0x3FA6]  }
0x30: {  	s3 =	sld [smem:$0x3FA9]  }
0x31: {  	[smem:$0x3FB2] =	sst s10  }
0x32: {  	s10 =	sld [smem:$0x3FB0];
	_ =	sdelay $0x3  }
0x33: {  	p0 =	seq.s32 s10, $0x1;
	s10 =	sld [smem:$0x3FB2];
	_ =	sdelay $0x3  }
0x34: {  	[smem:$0x3FB2] =	sst s10  }
0x35: {  	s10 =	sld [smem:$0x3FB1];
	_ =	sdelay $0x3  }
0x36: {  	p1 =	seq.s32 s10, $0x1;
	s10 =	sld [smem:$0x3FB2];
	_ =	sdelay $0x3  }
0x37: {  	[smem:$0x3FB2] =	sst s10  }
0x38: {  	s10 =	sld [smem:$0x3FB3]  }
0x39: {  	_ = 	snop;
	(pc) =	sbr.ind lr, $3  }
0x3a: {  	_ = 	snop  }
0x3b: {  	_ = 	snop  }
0x3c: {  	p2 =	seq.s32 s10, $0x1;
	s10 =	sld [smem:$0x3FB2]  }
0x3d: {  	_ =	shalt  }
0x3e: {  	_ =	shalt  }
0x3f: {  	_ =	shalt  }
0x40: {  	_ =	shalt  }
0x41: {  	_ =	shalt  }
0x42: {  	_ =	shalt  }
0x43: {  	_ =	shalt  }
0x44: {  	_ =	shalt  }
0x45: {  	_ =	shalt  }
0x46: {  	_ =	shalt  }
0x47: {  	_ =	shalt  }
0x48: {  	_ =	shalt  }
0x49: {  	_ =	shalt  }
0x4a: {  	_ =	shalt  }
0x4b: {  	_ =	shalt  }
0x4c: {  	_ =	shalt  }
0x4d: {  	_ =	shalt  }
0x4e: {  	_ =	shalt  }
0x4f: {  	_ =	shalt  }
0x50: {  	_ =	shalt  }
0x51: {  	_ =	shalt  }
0x52: {  	_ =	shalt  }
0x53: {  	_ =	shalt  }
0x54: {  	_ =	shalt  }
0x55: {  	_ =	shalt  }
0x56: {  	_ =	shalt  }
0x57: {  	_ =	shalt  }
0x58: {  	_ =	shalt  }
0x59: {  	_ =	shalt  }
0x5a: {  	_ =	shalt  }
0x5b: {  	_ =	shalt  }
0x5c: {  	_ =	shalt  }
0x5d: {  	_ =	shalt  }
0x5e: {  	_ =	shalt  }
0x5f: {  	_ =	shalt  }
0x60: {  	_ =	shalt  }
0x61: {  	_ =	shalt  }
0x62: {  	_ =	shalt  }
0x63: {  	_ =	shalt  }
0x64: {  	_ =	shalt  }
0x65: {  	_ =	shalt  }
0x66: {  	_ =	shalt  }
0x67: {  	_ =	shalt  }
0x68: {  	_ =	shalt  }
0x69: {  	_ =	shalt  }
0x6a: {  	_ =	shalt  }
0x6b: {  	_ =	shalt  }
0x6c: {  	_ =	shalt  }
0x6d: {  	_ =	shalt  }
0x6e: {  	_ =	shalt  }
0x6f: {  	_ =	shalt  }
0x70: {  	_ =	shalt  }
0x71: {  	_ =	shalt  }
0x72: {  	_ =	shalt  }
0x73: {  	_ =	shalt  }
0x74: {  	_ =	shalt  }
0x75: {  	_ =	shalt  }
0x76: {  	_ =	shalt  }
0x77: {  	_ =	shalt  }
0x78: {  	_ =	shalt  }
0x79: {  	_ =	shalt  }
0x7a: {  	_ =	shalt  }
0x7b: {  	_ =	shalt  }
0x7c: {  	_ =	shalt  }
0x7d: {  	_ =	shalt  }
0x7e: {  	_ =	shalt  }
0x7f: {  	_ =	shalt  }
0x80: {  	_ =	shalt  }
0x81: {  	_ =	shalt  }
0x82: {  	_ =	shalt  }
0x83: {  	_ =	shalt  }
0x84: {  	_ =	shalt  }
0x85: {  	_ =	shalt  }
0x86: {  	_ =	shalt  }
0x87: {  	_ =	shalt  }
.Lfunc_end0:
.L_simem_size_0:
called_computation.2_lowered:
.L_overlay_start_0:
0x88: {  	s2 =	sld [smem:$0x3FD9]  }
0x89: {  	s3 =	sld [smem:$0x3FFE];
	_ =	sdelay $0x1  }
0x8a: {  	s1 =	srdreg.scid  }
0x8b: {  	s0 =	sand.u32 $0x1, s1  }
0x8c: {  	s16 =	sshll.u32 s0, $0xA;
	s2 =	sadd.s32 s3, s2  }
0x8d: {  	s2 =	sadd.s32 s2, s16  }
0x8e: {  	[smem:$0x3FBE] =	sst s2  }
0x8f: {  	_ = 	snop  }
0x90: {  	(tm) =	ssettm $0x1  }
0x91: {  	s17 =	sld [smem:$0x3FFB];
	_ =	sdelay $0x3  }
0x92: {  	_ =	strace s17  }
0x93: {  	s2 =	sld [smem:$0x3FFC];
	_ =	sdelay $0x3  }
0x94: {  	_ =	strace s2  }
0x95: {  	s2 =	sld [smem:$0x3FFD];
	_ =	sdelay $0x3  }
0x96: {  	_ =	strace s2  }
0x97: {  	_ =	strace $0x8FFFFFFF  }
0x98: {  	s18 =	sld [smem:$0x3FDB];
	_ =	sdelay $0x1  }
0x99: {  	s19 =	simm.s32 $_scs_section_size  }
0x9a: {  	s4 =	simm.s32 $_size__tile_overlayer_lowered;
	s5 =	simm.s32 $_tile_overlayer_lowered  }
0x9b: {  	s22 =	simm.s32 $0x1BFF;
	s21 =	sshll.u32 s5, $0x1;
	s2 =	sadd.s32 s19, s18  }
0x9c: {  	s6 =	simm.s32 $0x0;
	s20 =	sshll.u32 s4, $0x1;
	s4 =	sadd.s32 s21, s2  }
0x9d: {  	[timem:s6], [sflag:s22] =	dma.local [hbm:s4], s20  }
0x9e: {  	_ =	swait.ge [sflag:s22], s20  }
0x9f: {  	s3 =	ssub.s32 $0x0, s20;
	[sflag:s22] =	ssyncset.done $0x0  }
0xa0: {  	[sflag:s22] =	ssyncadd.s32 s3;
	_ =	sdelay $0x1  }
0xa1: {  	s23 =	simm.s32 $0x1B8B  }
0xa2: {  	_ =	swait.ge [sflag:s23], $0x1  }
0xa3: {  	[sflag:s23] =	ssyncset.done $0x0  }
0xa4: {  	s25 =	simm.s32 $0x1B8E;
	s24 =	sld [smem:$0x3FFE];
	[sflag:s23] =	ssyncadd.s32 $0xFFFFFFFF  }
0xa5: {  	s26 =	simm.s32 $execute0_lowered;
	[smem:$0x3FD2] =	sst s25  }
0xa6: {  	s4 =	sshll.u32 s26, $0x1;
	_ =	strace $0x8000004C;
	[dreg:$0x1] =	wrdreg $0xFFFFFFFF  }
0xa7: {  	s28 =	simm.s32 $_size_execute0_lowered;
	s2 =	sadd.s32 s2, s4;
	[dreg:$0x0] =	wrdreg $0x0  }
0xa8: {  	s4 =	sshll.u32 s28, $0x1;
	[dreg:$0x2] =	wrdreg s2  }
0xa9: {  	[dreg:$0x3] =	wrdreg s4  }
0xaa: {  	[dreg:$0x4] =	wrdreg $0xC0  }
0xab: {  	_ =	task [dreg:s6], $0x5FFFF  }
0xac: {  	[dreg:$0x1] =	wrdreg $0xFFFFFFFF  }
0xad: {  	[dreg:$0x0] =	wrdreg $0x60  }
0xae: {  	[dreg:$0x2] =	wrdreg s24  }
0xaf: {  	[dreg:$0x3] =	wrdreg $0x90000  }
0xb0: {  	[dreg:$0x4] =	wrdreg $0x9  }
0xb1: {  	_ =	task.clear_ibuf [dreg:s6], $0x5FFFF;
	_ =	strace $0x9000004C  }
0xb2: {  	s29 =	simm.s32 $0x9;
	_ =	strace $0x8000004E  }
0xb3: {  	_ =	swait.ge [sflag:s29], $0x1  }
0xb4: {  	[sflag:s29] =	ssyncadd.s32 $0xFFFFFFFF  }
0xb5: {  	_ =	strace $0x9000004E  }
0xb6: {  	_ =	sfence  }
0xb7: {  	s30 =	sld [smem:$0x0];
	_ =	sdelay $0x2  }
0xb8: {  	s31 =	sshll.u32 s1, $0xD;
	s1 =	sshrl.u32 s1, $0x2  }
0xb9: {  	s3 =	sand.u32 $0x4000, s31;
	s1 =	sadd.s32 s1, s30  }
0xba: {  	s0 =	sor.u32 s3, s0;
	s1 =	sshll.u32 s1, $0x11  }
0xbb: {  	s0 =	sor.u32 s1, s0  }
0xbc: {  	s0 =	sadd.s32 $0x8F2B, s0  }
0xbd: {  	[sflag:s0] =	ssyncadd.remote.s32 $0x1  }
0xbe: {  	_ =	sfence.sel $0xFFFF  }
0xbf: {  	[dreg:$0x0] =	wrdreg $0xFFFFFFFF;
	(pc) =	sbr.abs _section_cstart, $3  }
0xc0: {  	[dreg:$0x1] =	wrdreg $0xFFFFFFFF  }
0xc1: {  	_ =	task.clear_ibuf [dreg:s6], $0x2FFFF;
	_ =	strace $0x9FFFFFFF  }
0xc2: {  	(tm) =	ssettm $0x7FFFFFFF  }
0xc3: {  	_ =	shalt  }
tec
execute0_lowered:
.L_overlay_start_1:
0x0: {  	(tag) =	ssettag $0x1  }
0x1: {  	s7 =	rddreg [dreg:$0x0]  }
0x2: {  	s0 =	srdreg.scid;
	s2 =	rddreg [dreg:$0x1]  }
0x3: {  	s3 =	simm.s32 $0x0;
	s14 =	simm.s32 $0x80;
	s15 =	simm.s32 $0x5000  }
0x4: {  	s16 =	simm.s32 $0x1;
	s6 =	sand.u32 $0x1, s0;
	s0 =	stileid.u32  }
0x5: {  	s17 =	simm.s32 $0x0;
	[smem:$0x7FF] =	sst s3;
	s8 =	smul.u32 $0x13C000, s6  }
0x6: {  	s4 =	sadd.s32 $0x6400, s7;
	s1 =	sshll.u32 s6, $0x4;
	s9 =	smul.u32 $0x13C00, s0  }
0x7: {  	s28 =	smul.u32 $0x4F000, s0;
	s6 =	ssub.s32 $0x2, s6;
	s1 =	sor.u32 s0, s1  }
0x8: {  	s31 =	sshll.u32 s0, $0x6;
	s29 =	sshrl.u32 s6, $0x1;
	s5 =	smul.u32 $0x500, s1  }
0x9: {  	s1 =	rddreg [dreg:$0x2];
	_ =	strace $0x8000004D;
	s8 =	sadd.s32 s9, s8  }
0xa: {  	s30 =	sshrl.u32 s28, $0x2;
	s12 =	ssub.s32 s6, s29;
	s6 =	sor.u32 $0x1C02, s31  }
0xb: {  	s8 =	sshrl.u32 s8, $0x3;
	s13 =	sadd.s32 s30, s2;
	s10 =	sadd.s32 s5, s7  }
0xc: {  	s5 =	sadd.s32 $0x3C00, s7;
	s11 =	sadd.s32 s8, s7;
	s7 =	sadd.s32 $0x55C00, s10  }
0xd: {  	s8 =	sadd.s32 $0x5FC00, s10;
	s9 =	sadd.s32 $0x69C00, s11;
	s10 =	smax.u32 s12, $0x1  }
0xe: {  	s11 =	sshrl.u32 s13, $0x3;
	s12 =	simm.s32 $0x2;
	s13 =	simm.s32 $0x2800  }
.LBB2_1:
0xf: {  	[spmem:s11], [sflag:s6] =	dma.local [hbm:s5], $0x2780  }
0x10: {  	_ =	swait.ge [sflag:s12], $0x2780  }
0x11: {  	[sflag:s12] =	ssyncset.done $0x0  }
0x12: {  	[sflag:s12] =	ssyncadd.s32 $0xFFFFD880  }
0x13: {  	[tilespmem:s3], [sflag:$0x2] =	stream.linear.gather [hbm4b:s7+s3], $0x2800, $0x38;
	[tilespmem:$0x1CC00] =	vst v63  }
0x14: {  	_ =	swait.ge [sflag:s12], $0x2800  }
0x15: {  	[sflag:s12] =	ssyncset.done $0x0  }
0x16: {  	[sflag:s12] =	ssyncadd.s32 $0xFFFFD800  }
0x17: {  	[tilespmem:s13], [sflag:$0x2] =	stream.linear.gather [hbm4b:s8+s3], $0x2800, $0x38;
	[tilespmem:$0x1CC00] =	vst v63  }
0x18: {  	_ =	swait.ge [sflag:s12], $0x2800  }
0x19: {  	[sflag:s12] =	ssyncset.done $0x0  }
0x1a: {  	[sflag:s12] =	ssyncadd.s32 $0xFFFFD800  }
0x1b: {  	s18 =	simm.s32 $0x0;
	[bflag:$0x0] =	sbarrier.arrive $0xFFFF  }
0x1c: {  	[tilespmem:s15], [sflag:$0x1] =	stream.indirect.gather [hbm4b:s4+s14], $0x80, s18, s14, $0xb8;
	[tilespmem:$0x1CC00] =	vst v63  }
0x1d: {  	_ =	swait.ge [sflag:s16], $0x4000  }
0x1e: {  	[sflag:s16] =	ssyncset.done $0x0  }
0x1f: {  	s31 =	simm.s32 $0x2800;
	[sflag:s16] =	ssyncadd.s32 $0xFFFFC000  }
0x20: {  	[spmem:s2] =	stream.indirect.scatter.add.f32 [tilespmem:s15], [sflag:$0x2], $0x80, s31, s14, $0xb8;
	[tilespmem:$0x1CC00] =	vst v63  }
0x21: {  	_ =	swait.ge [sflag:s12], $0x4000  }
0x22: {  	s19 =	simm.s32 $0x400;
	s18 =	simm.s32 $0x200;
	[sflag:s12] =	ssyncset.done $0x0  }
.LBB2_2:
0x23: {  	s20 =	sshra.s32 s18, $0x2  }
0x24: {  	[sflag:s12] =	ssyncadd.s32 $0xFFFFC000;
	s18 =	smov.u32 s19;
	s21 =	sadd.s32 $0x200, s19  }
0x25: {  	[tilespmem:s15], [sflag:$0x1] =	stream.indirect.gather [hbm4b:s4+s14], $0x80, s20, s14, $0xb8;
	[tilespmem:$0x1CC00] =	vst v63  }
0x26: {  	p0 =	sne.s32 s19, $0x9E00;
	_ =	swait.ge [sflag:s16], $0x4000  }
.Ltmp0:
0x27: {  	[sflag:s16] =	ssyncset.done $0x0;
	(pc) =	sbr.rel @p0 .LBB2_2-.Ltmp0, $4  }
0x28: {  	s19 =	sadd.s32 $0x2800, s20;
	[sflag:s16] =	ssyncadd.s32 $0xFFFFC000  }
0x29: {  	[spmem:s2] =	stream.indirect.scatter.add.f32 [tilespmem:s15], [sflag:$0x2], $0x80, s19, s14, $0xb8;
	[tilespmem:$0x1CC00] =	vst v63  }
0x2a: {  	_ =	swait.ge [sflag:s12], $0x4000  }
0x2b: {  	s19 =	smov.u32 s21;
	[sflag:s12] =	ssyncset.done $0x0  }
0x2c: {  	s18 =	sshra.s32 s18, $0x2;
	[sflag:s12] =	ssyncadd.s32 $0xFFFFC000  }
0x2d: {  	[tilespmem:s15], [sflag:$0x1] =	stream.indirect.gather [hbm4b:s4+s14], $0x80, s18, s14, $0xb8;
	[tilespmem:$0x1CC00] =	vst v63  }
0x2e: {  	_ =	swait.ge [sflag:s16], $0x4000  }
0x2f: {  	[sflag:s16] =	ssyncset.done $0x0  }
0x30: {  	s18 =	sadd.s32 $0x2800, s18;
	[sflag:s16] =	ssyncadd.s32 $0xFFFFC000  }
0x31: {  	[spmem:s2] =	stream.indirect.scatter.add.f32 [tilespmem:s15], [sflag:$0x2], $0x80, s18, s14, $0xb8;
	[tilespmem:$0x1CC00] =	vst v63  }
0x32: {  	_ =	swait.ge [sflag:s12], $0x4000  }
0x33: {  	s17 =	sadd.s32 $0x1, s17;
	[sflag:s12] =	ssyncset.done $0x0  }
0x34: {  	p0 =	sne.s32 s17, s10;
	[sflag:s12] =	ssyncadd.s32 $0xFFFFC000  }
.Ltmp1:
0x35: {  	[bflag:$0x0] =	sbarrier.arrive $0xFFFF;
	(pc) =	sbr.rel @p0 .LBB2_1-.Ltmp1, $4  }
0x36: {  	[hbm:s9], [sflag:s6] =	dma.local [spmem:s11], $0x2780  }
0x37: {  	_ =	swait.ge [sflag:s12], $0x2780  }
0x38: {  	[sflag:s12] =	ssyncset.done $0x0  }
0x39: {  	[sflag:s12] =	ssyncadd.s32 $0xFFFFD880  }
0x3a: {  	_ =	sfence.sel $0x180000  }
0x3b: {  	[bflag:$0x0] =	sbarrier.arrive $0xFFFF  }
0x3c: {  	p0 =	sne.s32 s0, $0x0;
	_ =	strace $0x9000004D  }
0x3d: {  	s0 =	sadd.s32 @!p0 $0x100000, s1;
	[bflag:$0x2] =	sbarrier.arrive $0xFFFF  }
0x3e: {  	[sflag:s0] =	ssyncadd.tile.s32 @!p0 $0x1;
	_ =	shalt  }
.Lfunc_end2:
_tile_overlayer_lowered:
.L_overlay_start_2:
0x3f: {  	(tag) =	ssettag $0x2  }
0x40: {  	s0 =	rddreg [dreg:$0x0];
	s2 =	stileid.u32  }
0x41: {  	s1 =	rddreg [dreg:$0x1];
	p0 =	sne.s32 s2, $0x0  }
0x42: {  	s3 =	rddreg [dreg:$0x2];
	[bflag:$0x3] =	sbarrier.arrive $0xFFFF;
	s2 =	simm.s32 @!p0 $0x1C02  }
0x43: {  	[timem:s3], [sflag:s2] =	dma.local @!p0 [hbm:s0], s1  }
0x44: {  	s0 =	simm.s32 @!p0 $0x2  }
0x45: {  	_ =	swait.ge @!p0 [sflag:s0], s1  }
0x46: {  	s1 =	ssub.s32 @!p0 $0x0, s1;
	[sflag:s0] =	ssyncset.done @!p0 $0x0  }
0x47: {  	[sflag:s0] =	ssyncadd.s32 @!p0 s1  }
0x48: {  	[bflag:$0x3] =	sbarrier.arrive $0xFFFF  }
0x49: {  	_ =	shalt  }

// kernel: kernel.21.cloned.1.call-start
scs
__scs_entry_jumppad:
0x0: {  	(pc) =	sbr.rel $0x88, $3  }
0x1: {  	(tag) =	ssettag $0x0;
	lr =	simm.s32 $0x1  }
0x2: {  	[smem:$0x3F97] =	sst lr;
	_ =	strace $0xD0000000  }
0x3: {  	_ = 	snop  }
0x4: {  	_ = 	snop  }
0x5: {  	_ = 	snop  }
0x6: {  	_ = 	snop  }
0x7: {  	_ = 	snop  }
__scs_overlays_trampoline_lowered:
0x8: {  	[smem:$0x3FA6] =	sst s0  }
0x9: {  	[smem:$0x3FA7] =	sst s1  }
0xa: {  	[smem:$0x3FA8] =	sst s2  }
0xb: {  	[smem:$0x3FA9] =	sst s3  }
0xc: {  	[smem:$0x3FAA] =	sst s4  }
0xd: {  	[smem:$0x3FAB] =	sst s5  }
0xe: {  	[smem:$0x3FAC] =	sst s6  }
0xf: {  	[smem:$0x3FAD] =	sst s7  }
0x10: {  	[smem:$0x3FAE] =	sst s8  }
0x11: {  	[smem:$0x3FAF] =	sst s9;
	s0 =	simm.s32 @!p0 $0x0  }
0x12: {  	s1 =	sld [smem:$0x3F95];
	s0 =	simm.s32 @p0 $0x1  }
0x13: {  	[smem:$0x3FB0] =	sst s0;
	s0 =	simm.s32 @!p1 $0x0  }
0x14: {  	s2 =	sld [smem:$0x3F94];
	s0 =	simm.s32 @p1 $0x1  }
0x15: {  	[smem:$0x3FB1] =	sst s0;
	s0 =	simm.s32 @!p2 $0x0  }
0x16: {  	s3 =	sld [smem:$0x3FDB];
	s0 =	simm.s32 @p2 $0x1  }
0x17: {  	s4 =	simm.s32 $0x1BF5;
	[smem:$0x3FB3] =	sst s0  }
0x18: {  	s0 =	sld [smem:$0x3F96];
	_ =	swait.ge [sflag:s4], $0x0  }
0x19: {  	s7 =	sld [smem:$0x3F97]  }
0x1a: {  	s8 =	sadd.s32 $0xFFFFE003, lr  }
0x1b: {  	s9 =	sadd.s32 $0xFFFFFEF7, lr;
	s5 =	simm.s32 $0xFFFFFFFF;
	p2 =	slt.u32 s8, $0xFFFFF086  }
0x1c: {  	p1 =	slt.u32 s9, $0xF7A;
	s5 =	simm.s32 @!p2 $0x0  }
0x1d: {  	s5 =	simm.s32 @p1 $0x1;
	p0 =	seq.s32 s7, s2  }
0x1e: {  	s7 =	smul.u32 @!p0 $0xF7A, s2;
	p2 =	seq.s32 @!p0 s5, $0x0  }
0x1f: {  	s9 =	smul.u32 $0xF7A, s1;
	s8 =	simm.s32 @!p0 $0x1BF5;
	p2 =	por !p2, p0  }
0x20: {  	[sflag:s8] =	ssyncset.s32 @!p0 $0xFFFFF086;
	s6 =	sadd.s32 @!p0 s3, s7;
	s7 =	simm.s32 @!p0 $0x108  }
0x21: {  	s3 =	sadd.s32 s3, s9;
	s6 =	sadd.s32 @!p0 $0x88, s6;
	s7 =	simm.s32 @p2 $0x1082  }
0x22: {  	[simem:s7], [sflag:s8] =	dma.local @!p0 [hbm:s6], $0xF7A  }
0x23: {  	s9 =	sor.u32 $0xD0000000, s2;
	s6 =	simm.s32 $0x108;
	_ =	swait.ge @!p0 [sflag:s8], $0x0  }
0x24: {  	s3 =	sadd.s32 $0x88, s3;
	s6 =	simm.s32 @!p1 $0x1082;
	[sflag:s4] =	ssyncset.s32 $0xFFFFF086  }
0x25: {  	[simem:s6], [sflag:s4] =	dma.local [hbm:s3], $0xF7A  }
0x26: {  	[smem:$0x3F97] =	sst s1;
	(tag) =	ssettag s2;
	_ =	strace s9  }
0x27: {  	s1 =	sld [smem:$0x3FA7]  }
0x28: {  	s2 =	sld [smem:$0x3FA8]  }
0x29: {  	s4 =	sld [smem:$0x3FAA]  }
0x2a: {  	p0 =	seq.s32 s5, $0x0;
	s5 =	sld [smem:$0x3FAB]  }
0x2b: {  	s6 =	sld [smem:$0x3FAC]  }
0x2c: {  	s7 =	sld [smem:$0x3FAD]  }
0x2d: {  	s3 =	simm.s32 $0x108;
	s8 =	sld [smem:$0x3FAE]  }
0x2e: {  	s3 =	simm.s32 @!p0 $0x1082;
	s9 =	sld [smem:$0x3FAF]  }
0x2f: {  	lr =	sadd.s32 s0, s3;
	s0 =	sld [smem:$0x3FA6]  }
0x30: {  	s3 =	sld [smem:$0x3FA9]  }
0x31: {  	[smem:$0x3FB2] =	sst s10  }
0x32: {  	s10 =	sld [smem:$0x3FB0];
	_ =	sdelay $0x3  }
0x33: {  	p0 =	seq.s32 s10, $0x1;
	s10 =	sld [smem:$0x3FB2];
	_ =	sdelay $0x3  }
0x34: {  	[smem:$0x3FB2] =	sst s10  }
0x35: {  	s10 =	sld [smem:$0x3FB1];
	_ =	sdelay $0x3  }
0x36: {  	p1 =	seq.s32 s10, $0x1;
	s10 =	sld [smem:$0x3FB2];
	_ =	sdelay $0x3  }
0x37: {  	[smem:$0x3FB2] =	sst s10  }
0x38: {  	s10 =	sld [smem:$0x3FB3]  }
0x39: {  	_ = 	snop;
	(pc) =	sbr.ind lr, $3  }
0x3a: {  	_ = 	snop  }
0x3b: {  	_ = 	snop  }
0x3c: {  	p2 =	seq.s32 s10, $0x1;
	s10 =	sld [smem:$0x3FB2]  }
0x3d: {  	_ =	shalt  }
0x3e: {  	_ =	shalt  }
0x3f: {  	_ =	shalt  }
0x40: {  	_ =	shalt  }
0x41: {  	_ =	shalt  }
0x42: {  	_ =	shalt  }
0x43: {  	_ =	shalt  }
0x44: {  	_ =	shalt  }
0x45: {  	_ =	shalt  }
0x46: {  	_ =	shalt  }
0x47: {  	_ =	shalt  }
0x48: {  	_ =	shalt  }
0x49: {  	_ =	shalt  }
0x4a: {  	_ =	shalt  }
0x4b: {  	_ =	shalt  }
0x4c: {  	_ =	shalt  }
0x4d: {  	_ =	shalt  }
0x4e: {  	_ =	shalt  }
0x4f: {  	_ =	shalt  }
0x50: {  	_ =	shalt  }
0x51: {  	_ =	shalt  }
0x52: {  	_ =	shalt  }
0x53: {  	_ =	shalt  }
0x54: {  	_ =	shalt  }
0x55: {  	_ =	shalt  }
0x56: {  	_ =	shalt  }
0x57: {  	_ =	shalt  }
0x58: {  	_ =	shalt  }
0x59: {  	_ =	shalt  }
0x5a: {  	_ =	shalt  }
0x5b: {  	_ =	shalt  }
0x5c: {  	_ =	shalt  }
0x5d: {  	_ =	shalt  }
0x5e: {  	_ =	shalt  }
0x5f: {  	_ =	shalt  }
0x60: {  	_ =	shalt  }
0x61: {  	_ =	shalt  }
0x62: {  	_ =	shalt  }
0x63: {  	_ =	shalt  }
0x64: {  	_ =	shalt  }
0x65: {  	_ =	shalt  }
0x66: {  	_ =	shalt  }
0x67: {  	_ =	shalt  }
0x68: {  	_ =	shalt  }
0x69: {  	_ =	shalt  }
0x6a: {  	_ =	shalt  }
0x6b: {  	_ =	shalt  }
0x6c: {  	_ =	shalt  }
0x6d: {  	_ =	shalt  }
0x6e: {  	_ =	shalt  }
0x6f: {  	_ =	shalt  }
0x70: {  	_ =	shalt  }
0x71: {  	_ =	shalt  }
0x72: {  	_ =	shalt  }
0x73: {  	_ =	shalt  }
0x74: {  	_ =	shalt  }
0x75: {  	_ =	shalt  }
0x76: {  	_ =	shalt  }
0x77: {  	_ =	shalt  }
0x78: {  	_ =	shalt  }
0x79: {  	_ =	shalt  }
0x7a: {  	_ =	shalt  }
0x7b: {  	_ =	shalt  }
0x7c: {  	_ =	shalt  }
0x7d: {  	_ =	shalt  }
0x7e: {  	_ =	shalt  }
0x7f: {  	_ =	shalt  }
0x80: {  	_ =	shalt  }
0x81: {  	_ =	shalt  }
0x82: {  	_ =	shalt  }
0x83: {  	_ =	shalt  }
0x84: {  	_ =	shalt  }
0x85: {  	_ =	shalt  }
0x86: {  	_ =	shalt  }
0x87: {  	_ =	shalt  }
.Lfunc_end0:
.L_simem_size_0:
called_computation.3_lowered:
.L_overlay_start_0:
0x88: {  	s2 =	sld [smem:$0x3FD9]  }
0x89: {  	s3 =	sld [smem:$0x3FFE];
	_ =	sdelay $0x1  }
0x8a: {  	s1 =	srdreg.scid  }
0x8b: {  	s0 =	sand.u32 $0x1, s1  }
0x8c: {  	s16 =	sshll.u32 s0, $0xA;
	s2 =	sadd.s32 s3, s2  }
0x8d: {  	s2 =	sadd.s32 s2, s16  }
0x8e: {  	[smem:$0x3FBE] =	sst s2  }
0x8f: {  	_ = 	snop  }
0x90: {  	(tm) =	ssettm $0x1  }
0x91: {  	s17 =	sld [smem:$0x3FFB];
	_ =	sdelay $0x3  }
0x92: {  	_ =	strace s17  }
0x93: {  	s2 =	sld [smem:$0x3FFC];
	_ =	sdelay $0x3  }
0x94: {  	_ =	strace s2  }
0x95: {  	s2 =	sld [smem:$0x3FFD];
	_ =	sdelay $0x3  }
0x96: {  	_ =	strace s2  }
0x97: {  	_ =	strace $0x8FFFFFFF  }
0x98: {  	s18 =	sld [smem:$0x3FDB];
	_ =	sdelay $0x1  }
0x99: {  	s19 =	simm.s32 $_scs_section_size  }
0x9a: {  	s4 =	simm.s32 $_size__tile_overlayer_lowered;
	s5 =	simm.s32 $_tile_overlayer_lowered  }
0x9b: {  	s22 =	simm.s32 $0x1BFF;
	s21 =	sshll.u32 s5, $0x1;
	s2 =	sadd.s32 s19, s18  }
0x9c: {  	s6 =	simm.s32 $0x0;
	s20 =	sshll.u32 s4, $0x1;
	s4 =	sadd.s32 s21, s2  }
0x9d: {  	[timem:s6], [sflag:s22] =	dma.local [hbm:s4], s20  }
0x9e: {  	_ =	swait.ge [sflag:s22], s20  }
0x9f: {  	s3 =	ssub.s32 $0x0, s20;
	[sflag:s22] =	ssyncset.done $0x0  }
0xa0: {  	[sflag:s22] =	ssyncadd.s32 s3;
	_ =	sdelay $0x1  }
0xa1: {  	s23 =	simm.s32 $0x1B8B  }
0xa2: {  	_ =	swait.ge [sflag:s23], $0x1  }
0xa3: {  	[sflag:s23] =	ssyncset.done $0x0  }
0xa4: {  	s25 =	simm.s32 $0x1B8E;
	s24 =	sld [smem:$0x3FFE];
	[sflag:s23] =	ssyncadd.s32 $0xFFFFFFFF  }
0xa5: {  	s26 =	simm.s32 $execute0_lowered;
	[smem:$0x3FD2] =	sst s25  }
0xa6: {  	s4 =	sshll.u32 s26, $0x1;
	_ =	strace $0x8000004F;
	[dreg:$0x1] =	wrdreg $0xFFFFFFFF  }
0xa7: {  	s28 =	simm.s32 $_size_execute0_lowered;
	s2 =	sadd.s32 s2, s4;
	[dreg:$0x0] =	wrdreg $0x0  }
0xa8: {  	s4 =	sshll.u32 s28, $0x1;
	[dreg:$0x2] =	wrdreg s2  }
0xa9: {  	[dreg:$0x3] =	wrdreg s4  }
0xaa: {  	[dreg:$0x4] =	wrdreg $0xC0  }
0xab: {  	_ =	task [dreg:s6], $0x5FFFF  }
0xac: {  	[dreg:$0x1] =	wrdreg $0xFFFFFFFF  }
0xad: {  	[dreg:$0x0] =	wrdreg $0x60  }
0xae: {  	[dreg:$0x2] =	wrdreg s24  }
0xaf: {  	[dreg:$0x3] =	wrdreg $0x90000  }
0xb0: {  	[dreg:$0x4] =	wrdreg $0x9  }
0xb1: {  	_ =	task.clear_ibuf [dreg:s6], $0x5FFFF;
	_ =	strace $0x9000004F  }
0xb2: {  	s29 =	simm.s32 $0x9;
	_ =	strace $0x80000051  }
0xb3: {  	_ =	swait.ge [sflag:s29], $0x1  }
0xb4: {  	[sflag:s29] =	ssyncadd.s32 $0xFFFFFFFF  }
0xb5: {  	_ =	strace $0x90000051  }
0xb6: {  	_ =	sfence  }
0xb7: {  	s30 =	sld [smem:$0x0];
	_ =	sdelay $0x2  }
0xb8: {  	s31 =	sshll.u32 s1, $0xD;
	s1 =	sshrl.u32 s1, $0x2  }
0xb9: {  	s3 =	sand.u32 $0x4000, s31;
	s1 =	sadd.s32 s1, s30  }
0xba: {  	s0 =	sor.u32 s3, s0;
	s1 =	sshll.u32 s1, $0x11  }
0xbb: {  	s0 =	sor.u32 s1, s0  }
0xbc: {  	s0 =	sadd.s32 $0x8F2B, s0  }
0xbd: {  	[sflag:s0] =	ssyncadd.remote.s32 $0x1  }
0xbe: {  	_ =	sfence.sel $0xFFFF  }
0xbf: {  	[dreg:$0x0] =	wrdreg $0xFFFFFFFF;
	(pc) =	sbr.abs _section_cstart, $3  }
0xc0: {  	[dreg:$0x1] =	wrdreg $0xFFFFFFFF  }
0xc1: {  	_ =	task.clear_ibuf [dreg:s6], $0x2FFFF;
	_ =	strace $0x9FFFFFFF  }
0xc2: {  	(tm) =	ssettm $0x7FFFFFFF  }
0xc3: {  	_ =	shalt  }
tec
execute0_lowered:
.L_overlay_start_1:
0x0: {  	(tag) =	ssettag $0x1  }
0x1: {  	s7 =	rddreg [dreg:$0x0]  }
0x2: {  	s0 =	srdreg.scid;
	s2 =	rddreg [dreg:$0x1]  }
0x3: {  	s3 =	simm.s32 $0x0;
	s14 =	simm.s32 $0x80;
	s15 =	simm.s32 $0x5000  }
0x4: {  	s16 =	simm.s32 $0x1;
	s6 =	sand.u32 $0x1, s0;
	s0 =	stileid.u32  }
0x5: {  	s17 =	simm.s32 $0x0;
	[smem:$0x7FF] =	sst s3;
	s8 =	smul.u32 $0x13C000, s6  }
0x6: {  	s4 =	sadd.s32 $0x6400, s7;
	s1 =	sshll.u32 s6, $0x4;
	s9 =	smul.u32 $0x13C00, s0  }
0x7: {  	s28 =	smul.u32 $0x4F000, s0;
	s6 =	ssub.s32 $0x2, s6;
	s1 =	sor.u32 s0, s1  }
0x8: {  	s31 =	sshll.u32 s0, $0x6;
	s29 =	sshrl.u32 s6, $0x1;
	s5 =	smul.u32 $0x500, s1  }
0x9: {  	s1 =	rddreg [dreg:$0x2];
	_ =	strace $0x80000050;
	s8 =	sadd.s32 s9, s8  }
0xa: {  	s30 =	sshrl.u32 s28, $0x2;
	s12 =	ssub.s32 s6, s29;
	s6 =	sor.u32 $0x1C02, s31  }
0xb: {  	s8 =	sshrl.u32 s8, $0x3;
	s13 =	sadd.s32 s30, s2;
	s10 =	sadd.s32 s5, s7  }
0xc: {  	s5 =	sadd.s32 $0x3C00, s7;
	s11 =	sadd.s32 s8, s7;
	s7 =	sadd.s32 $0x55C00, s10  }
0xd: {  	s8 =	sadd.s32 $0x5FC00, s10;
	s9 =	sadd.s32 $0x69C00, s11;
	s10 =	smax.u32 s12, $0x1  }
0xe: {  	s11 =	sshrl.u32 s13, $0x3;
	s12 =	simm.s32 $0x2;
	s13 =	simm.s32 $0x2800  }
.LBB2_1:
0xf: {  	[spmem:s11], [sflag:s6] =	dma.local [hbm:s5], $0x2780  }
0x10: {  	_ =	swait.ge [sflag:s12], $0x2780  }
0x11: {  	[sflag:s12] =	ssyncset.done $0x0  }
0x12: {  	[sflag:s12] =	ssyncadd.s32 $0xFFFFD880  }
0x13: {  	[tilespmem:s3], [sflag:$0x2] =	stream.linear.gather [hbm4b:s7+s3], $0x2800, $0x38;
	[tilespmem:$0x1CC00] =	vst v63  }
0x14: {  	_ =	swait.ge [sflag:s12], $0x2800  }
0x15: {  	[sflag:s12] =	ssyncset.done $0x0  }
0x16: {  	[sflag:s12] =	ssyncadd.s32 $0xFFFFD800  }
0x17: {  	[tilespmem:s13], [sflag:$0x2] =	stream.linear.gather [hbm4b:s8+s3], $0x2800, $0x38;
	[tilespmem:$0x1CC00] =	vst v63  }
0x18: {  	_ =	swait.ge [sflag:s12], $0x2800  }
0x19: {  	[sflag:s12] =	ssyncset.done $0x0  }
0x1a: {  	[sflag:s12] =	ssyncadd.s32 $0xFFFFD800  }
0x1b: {  	s18 =	simm.s32 $0x0;
	[bflag:$0x0] =	sbarrier.arrive $0xFFFF  }
0x1c: {  	[tilespmem:s15], [sflag:$0x1] =	stream.indirect.gather [hbm4b:s4+s14], $0x80, s18, s14, $0xb8;
	[tilespmem:$0x1CC00] =	vst v63  }
0x1d: {  	_ =	swait.ge [sflag:s16], $0x4000  }
0x1e: {  	[sflag:s16] =	ssyncset.done $0x0  }
0x1f: {  	s31 =	simm.s32 $0x2800;
	[sflag:s16] =	ssyncadd.s32 $0xFFFFC000  }
0x20: {  	[spmem:s2] =	stream.indirect.scatter.add.f32 [tilespmem:s15], [sflag:$0x2], $0x80, s31, s14, $0xb8;
	[tilespmem:$0x1CC00] =	vst v63  }
0x21: {  	_ =	swait.ge [sflag:s12], $0x4000  }
0x22: {  	s19 =	simm.s32 $0x400;
	s18 =	simm.s32 $0x200;
	[sflag:s12] =	ssyncset.done $0x0  }
.LBB2_2:
0x23: {  	s20 =	sshra.s32 s18, $0x2  }
0x24: {  	[sflag:s12] =	ssyncadd.s32 $0xFFFFC000;
	s18 =	smov.u32 s19;
	s21 =	sadd.s32 $0x200, s19  }
0x25: {  	[tilespmem:s15], [sflag:$0x1] =	stream.indirect.gather [hbm4b:s4+s14], $0x80, s20, s14, $0xb8;
	[tilespmem:$0x1CC00] =	vst v63  }
0x26: {  	p0 =	sne.s32 s19, $0x9E00;
	_ =	swait.ge [sflag:s16], $0x4000  }
.Ltmp0:
0x27: {  	[sflag:s16] =	ssyncset.done $0x0;
	(pc) =	sbr.rel @p0 .LBB2_2-.Ltmp0, $4  }
0x28: {  	s19 =	sadd.s32 $0x2800, s20;
	[sflag:s16] =	ssyncadd.s32 $0xFFFFC000  }
0x29: {  	[spmem:s2] =	stream.indirect.scatter.add.f32 [tilespmem:s15], [sflag:$0x2], $0x80, s19, s14, $0xb8;
	[tilespmem:$0x1CC00] =	vst v63  }
0x2a: {  	_ =	swait.ge [sflag:s12], $0x4000  }
0x2b: {  	s19 =	smov.u32 s21;
	[sflag:s12] =	ssyncset.done $0x0  }
0x2c: {  	s18 =	sshra.s32 s18, $0x2;
	[sflag:s12] =	ssyncadd.s32 $0xFFFFC000  }
0x2d: {  	[tilespmem:s15], [sflag:$0x1] =	stream.indirect.gather [hbm4b:s4+s14], $0x80, s18, s14, $0xb8;
	[tilespmem:$0x1CC00] =	vst v63  }
0x2e: {  	_ =	swait.ge [sflag:s16], $0x4000  }
0x2f: {  	[sflag:s16] =	ssyncset.done $0x0  }
0x30: {  	s18 =	sadd.s32 $0x2800, s18;
	[sflag:s16] =	ssyncadd.s32 $0xFFFFC000  }
0x31: {  	[spmem:s2] =	stream.indirect.scatter.add.f32 [tilespmem:s15], [sflag:$0x2], $0x80, s18, s14, $0xb8;
	[tilespmem:$0x1CC00] =	vst v63  }
0x32: {  	_ =	swait.ge [sflag:s12], $0x4000  }
0x33: {  	s17 =	sadd.s32 $0x1, s17;
	[sflag:s12] =	ssyncset.done $0x0  }
0x34: {  	p0 =	sne.s32 s17, s10;
	[sflag:s12] =	ssyncadd.s32 $0xFFFFC000  }
.Ltmp1:
0x35: {  	[bflag:$0x0] =	sbarrier.arrive $0xFFFF;
	(pc) =	sbr.rel @p0 .LBB2_1-.Ltmp1, $4  }
0x36: {  	[hbm:s9], [sflag:s6] =	dma.local [spmem:s11], $0x2780  }
0x37: {  	_ =	swait.ge [sflag:s12], $0x2780  }
0x38: {  	[sflag:s12] =	ssyncset.done $0x0  }
0x39: {  	[sflag:s12] =	ssyncadd.s32 $0xFFFFD880  }
0x3a: {  	_ =	sfence.sel $0x180000  }
0x3b: {  	[bflag:$0x0] =	sbarrier.arrive $0xFFFF  }
0x3c: {  	p0 =	sne.s32 s0, $0x0;
	_ =	strace $0x90000050  }
0x3d: {  	s0 =	sadd.s32 @!p0 $0x100000, s1;
	[bflag:$0x2] =	sbarrier.arrive $0xFFFF  }
0x3e: {  	[sflag:s0] =	ssyncadd.tile.s32 @!p0 $0x1;
	_ =	shalt  }
.Lfunc_end2:
_tile_overlayer_lowered:
.L_overlay_start_2:
0x3f: {  	(tag) =	ssettag $0x2  }
0x40: {  	s0 =	rddreg [dreg:$0x0];
	s2 =	stileid.u32  }
0x41: {  	s1 =	rddreg [dreg:$0x1];
	p0 =	sne.s32 s2, $0x0  }
0x42: {  	s3 =	rddreg [dreg:$0x2];
	[bflag:$0x3] =	sbarrier.arrive $0xFFFF;
	s2 =	simm.s32 @!p0 $0x1C02  }
0x43: {  	[timem:s3], [sflag:s2] =	dma.local @!p0 [hbm:s0], s1  }
0x44: {  	s0 =	simm.s32 @!p0 $0x2  }
0x45: {  	_ =	swait.ge @!p0 [sflag:s0], s1  }
0x46: {  	s1 =	ssub.s32 @!p0 $0x0, s1;
	[sflag:s0] =	ssyncset.done @!p0 $0x0  }
0x47: {  	[sflag:s0] =	ssyncadd.s32 @!p0 s1  }
0x48: {  	[bflag:$0x3] =	sbarrier.arrive $0xFFFF  }
0x49: {  	_ =	shalt  }

// kernel: kernel.24.cloned.1.call-start
scs
__scs_entry_jumppad:
0x0: {  	(pc) =	sbr.rel $0x88, $3  }
0x1: {  	(tag) =	ssettag $0x0;
	lr =	simm.s32 $0x1  }
0x2: {  	[smem:$0x3F97] =	sst lr;
	_ =	strace $0xD0000000  }
0x3: {  	_ = 	snop  }
0x4: {  	_ = 	snop  }
0x5: {  	_ = 	snop  }
0x6: {  	_ = 	snop  }
0x7: {  	_ = 	snop  }
__scs_overlays_trampoline_lowered:
0x8: {  	[smem:$0x3FA6] =	sst s0  }
0x9: {  	[smem:$0x3FA7] =	sst s1  }
0xa: {  	[smem:$0x3FA8] =	sst s2  }
0xb: {  	[smem:$0x3FA9] =	sst s3  }
0xc: {  	[smem:$0x3FAA] =	sst s4  }
0xd: {  	[smem:$0x3FAB] =	sst s5  }
0xe: {  	[smem:$0x3FAC] =	sst s6  }
0xf: {  	[smem:$0x3FAD] =	sst s7  }
0x10: {  	[smem:$0x3FAE] =	sst s8  }
0x11: {  	[smem:$0x3FAF] =	sst s9;
	s0 =	simm.s32 @!p0 $0x0  }
0x12: {  	s1 =	sld [smem:$0x3F95];
	s0 =	simm.s32 @p0 $0x1  }
0x13: {  	[smem:$0x3FB0] =	sst s0;
	s0 =	simm.s32 @!p1 $0x0  }
0x14: {  	s2 =	sld [smem:$0x3F94];
	s0 =	simm.s32 @p1 $0x1  }
0x15: {  	[smem:$0x3FB1] =	sst s0;
	s0 =	simm.s32 @!p2 $0x0  }
0x16: {  	s3 =	sld [smem:$0x3FDB];
	s0 =	simm.s32 @p2 $0x1  }
0x17: {  	s4 =	simm.s32 $0x1BF5;
	[smem:$0x3FB3] =	sst s0  }
0x18: {  	s0 =	sld [smem:$0x3F96];
	_ =	swait.ge [sflag:s4], $0x0  }
0x19: {  	s7 =	sld [smem:$0x3F97]  }
0x1a: {  	s8 =	sadd.s32 $0xFFFFE003, lr  }
0x1b: {  	s9 =	sadd.s32 $0xFFFFFEF7, lr;
	s5 =	simm.s32 $0xFFFFFFFF;
	p2 =	slt.u32 s8, $0xFFFFF086  }
0x1c: {  	p1 =	slt.u32 s9, $0xF7A;
	s5 =	simm.s32 @!p2 $0x0  }
0x1d: {  	s5 =	simm.s32 @p1 $0x1;
	p0 =	seq.s32 s7, s2  }
0x1e: {  	s7 =	smul.u32 @!p0 $0xF7A, s2;
	p2 =	seq.s32 @!p0 s5, $0x0  }
0x1f: {  	s9 =	smul.u32 $0xF7A, s1;
	s8 =	simm.s32 @!p0 $0x1BF5;
	p2 =	por !p2, p0  }
0x20: {  	[sflag:s8] =	ssyncset.s32 @!p0 $0xFFFFF086;
	s6 =	sadd.s32 @!p0 s3, s7;
	s7 =	simm.s32 @!p0 $0x108  }
0x21: {  	s3 =	sadd.s32 s3, s9;
	s6 =	sadd.s32 @!p0 $0x88, s6;
	s7 =	simm.s32 @p2 $0x1082  }
0x22: {  	[simem:s7], [sflag:s8] =	dma.local @!p0 [hbm:s6], $0xF7A  }
0x23: {  	s9 =	sor.u32 $0xD0000000, s2;
	s6 =	simm.s32 $0x108;
	_ =	swait.ge @!p0 [sflag:s8], $0x0  }
0x24: {  	s3 =	sadd.s32 $0x88, s3;
	s6 =	simm.s32 @!p1 $0x1082;
	[sflag:s4] =	ssyncset.s32 $0xFFFFF086  }
0x25: {  	[simem:s6], [sflag:s4] =	dma.local [hbm:s3], $0xF7A  }
0x26: {  	[smem:$0x3F97] =	sst s1;
	(tag) =	ssettag s2;
	_ =	strace s9  }
0x27: {  	s1 =	sld [smem:$0x3FA7]  }
0x28: {  	s2 =	sld [smem:$0x3FA8]  }
0x29: {  	s4 =	sld [smem:$0x3FAA]  }
0x2a: {  	p0 =	seq.s32 s5, $0x0;
	s5 =	sld [smem:$0x3FAB]  }
0x2b: {  	s6 =	sld [smem:$0x3FAC]  }
0x2c: {  	s7 =	sld [smem:$0x3FAD]  }
0x2d: {  	s3 =	simm.s32 $0x108;
	s8 =	sld [smem:$0x3FAE]  }
0x2e: {  	s3 =	simm.s32 @!p0 $0x1082;
	s9 =	sld [smem:$0x3FAF]  }
0x2f: {  	lr =	sadd.s32 s0, s3;
	s0 =	sld [smem:$0x3FA6]  }
0x30: {  	s3 =	sld [smem:$0x3FA9]  }
0x31: {  	[smem:$0x3FB2] =	sst s10  }
0x32: {  	s10 =	sld [smem:$0x3FB0];
	_ =	sdelay $0x3  }
0x33: {  	p0 =	seq.s32 s10, $0x1;
	s10 =	sld [smem:$0x3FB2];
	_ =	sdelay $0x3  }
0x34: {  	[smem:$0x3FB2] =	sst s10  }
0x35: {  	s10 =	sld [smem:$0x3FB1];
	_ =	sdelay $0x3  }
0x36: {  	p1 =	seq.s32 s10, $0x1;
	s10 =	sld [smem:$0x3FB2];
	_ =	sdelay $0x3  }
0x37: {  	[smem:$0x3FB2] =	sst s10  }
0x38: {  	s10 =	sld [smem:$0x3FB3]  }
0x39: {  	_ = 	snop;
	(pc) =	sbr.ind lr, $3  }
0x3a: {  	_ = 	snop  }
0x3b: {  	_ = 	snop  }
0x3c: {  	p2 =	seq.s32 s10, $0x1;
	s10 =	sld [smem:$0x3FB2]  }
0x3d: {  	_ =	shalt  }
0x3e: {  	_ =	shalt  }
0x3f: {  	_ =	shalt  }
0x40: {  	_ =	shalt  }
0x41: {  	_ =	shalt  }
0x42: {  	_ =	shalt  }
0x43: {  	_ =	shalt  }
0x44: {  	_ =	shalt  }
0x45: {  	_ =	shalt  }
0x46: {  	_ =	shalt  }
0x47: {  	_ =	shalt  }
0x48: {  	_ =	shalt  }
0x49: {  	_ =	shalt  }
0x4a: {  	_ =	shalt  }
0x4b: {  	_ =	shalt  }
0x4c: {  	_ =	shalt  }
0x4d: {  	_ =	shalt  }
0x4e: {  	_ =	shalt  }
0x4f: {  	_ =	shalt  }
0x50: {  	_ =	shalt  }
0x51: {  	_ =	shalt  }
0x52: {  	_ =	shalt  }
0x53: {  	_ =	shalt  }
0x54: {  	_ =	shalt  }
0x55: {  	_ =	shalt  }
0x56: {  	_ =	shalt  }
0x57: {  	_ =	shalt  }
0x58: {  	_ =	shalt  }
0x59: {  	_ =	shalt  }
0x5a: {  	_ =	shalt  }
0x5b: {  	_ =	shalt  }
0x5c: {  	_ =	shalt  }
0x5d: {  	_ =	shalt  }
0x5e: {  	_ =	shalt  }
0x5f: {  	_ =	shalt  }
0x60: {  	_ =	shalt  }
0x61: {  	_ =	shalt  }
0x62: {  	_ =	shalt  }
0x63: {  	_ =	shalt  }
0x64: {  	_ =	shalt  }
0x65: {  	_ =	shalt  }
0x66: {  	_ =	shalt  }
0x67: {  	_ =	shalt  }
0x68: {  	_ =	shalt  }
0x69: {  	_ =	shalt  }
0x6a: {  	_ =	shalt  }
0x6b: {  	_ =	shalt  }
0x6c: {  	_ =	shalt  }
0x6d: {  	_ =	shalt  }
0x6e: {  	_ =	shalt  }
0x6f: {  	_ =	shalt  }
0x70: {  	_ =	shalt  }
0x71: {  	_ =	shalt  }
0x72: {  	_ =	shalt  }
0x73: {  	_ =	shalt  }
0x74: {  	_ =	shalt  }
0x75: {  	_ =	shalt  }
0x76: {  	_ =	shalt  }
0x77: {  	_ =	shalt  }
0x78: {  	_ =	shalt  }
0x79: {  	_ =	shalt  }
0x7a: {  	_ =	shalt  }
0x7b: {  	_ =	shalt  }
0x7c: {  	_ =	shalt  }
0x7d: {  	_ =	shalt  }
0x7e: {  	_ =	shalt  }
0x7f: {  	_ =	shalt  }
0x80: {  	_ =	shalt  }
0x81: {  	_ =	shalt  }
0x82: {  	_ =	shalt  }
0x83: {  	_ =	shalt  }
0x84: {  	_ =	shalt  }
0x85: {  	_ =	shalt  }
0x86: {  	_ =	shalt  }
0x87: {  	_ =	shalt  }
.Lfunc_end0:
.L_simem_size_0:
called_computation.4_lowered:
.L_overlay_start_0:
0x88: {  	s2 =	sld [smem:$0x3FD9]  }
0x89: {  	s3 =	sld [smem:$0x3FFE];
	_ =	sdelay $0x1  }
0x8a: {  	s1 =	srdreg.scid  }
0x8b: {  	s0 =	sand.u32 $0x1, s1  }
0x8c: {  	s16 =	sshll.u32 s0, $0xA;
	s2 =	sadd.s32 s3, s2  }
0x8d: {  	s2 =	sadd.s32 s2, s16  }
0x8e: {  	[smem:$0x3FBE] =	sst s2  }
0x8f: {  	_ = 	snop  }
0x90: {  	(tm) =	ssettm $0x1  }
0x91: {  	s17 =	sld [smem:$0x3FFB];
	_ =	sdelay $0x3  }
0x92: {  	_ =	strace s17  }
0x93: {  	s2 =	sld [smem:$0x3FFC];
	_ =	sdelay $0x3  }
0x94: {  	_ =	strace s2  }
0x95: {  	s2 =	sld [smem:$0x3FFD];
	_ =	sdelay $0x3  }
0x96: {  	_ =	strace s2  }
0x97: {  	_ =	strace $0x8FFFFFFF  }
0x98: {  	s18 =	sld [smem:$0x3FDB];
	_ =	sdelay $0x1  }
0x99: {  	s19 =	simm.s32 $_scs_section_size  }
0x9a: {  	s4 =	simm.s32 $_size__tile_overlayer_lowered;
	s5 =	simm.s32 $_tile_overlayer_lowered  }
0x9b: {  	s22 =	simm.s32 $0x1BFF;
	s21 =	sshll.u32 s5, $0x1;
	s2 =	sadd.s32 s19, s18  }
0x9c: {  	s6 =	simm.s32 $0x0;
	s20 =	sshll.u32 s4, $0x1;
	s4 =	sadd.s32 s21, s2  }
0x9d: {  	[timem:s6], [sflag:s22] =	dma.local [hbm:s4], s20  }
0x9e: {  	_ =	swait.ge [sflag:s22], s20  }
0x9f: {  	s3 =	ssub.s32 $0x0, s20;
	[sflag:s22] =	ssyncset.done $0x0  }
0xa0: {  	[sflag:s22] =	ssyncadd.s32 s3;
	_ =	sdelay $0x1  }
0xa1: {  	s23 =	simm.s32 $0x1B8B  }
0xa2: {  	_ =	swait.ge [sflag:s23], $0x1  }
0xa3: {  	[sflag:s23] =	ssyncset.done $0x0  }
0xa4: {  	s25 =	simm.s32 $0x1B8E;
	s24 =	sld [smem:$0x3FFE];
	[sflag:s23] =	ssyncadd.s32 $0xFFFFFFFF  }
0xa5: {  	s26 =	simm.s32 $execute0_lowered;
	[smem:$0x3FD2] =	sst s25  }
0xa6: {  	s4 =	sshll.u32 s26, $0x1;
	_ =	strace $0x80000052;
	[dreg:$0x1] =	wrdreg $0xFFFFFFFF  }
0xa7: {  	s28 =	simm.s32 $_size_execute0_lowered;
	s2 =	sadd.s32 s2, s4;
	[dreg:$0x0] =	wrdreg $0x0  }
0xa8: {  	s4 =	sshll.u32 s28, $0x1;
	[dreg:$0x2] =	wrdreg s2  }
0xa9: {  	[dreg:$0x3] =	wrdreg s4  }
0xaa: {  	[dreg:$0x4] =	wrdreg $0xC0  }
0xab: {  	_ =	task [dreg:s6], $0x5FFFF  }
0xac: {  	[dreg:$0x1] =	wrdreg $0xFFFFFFFF  }
0xad: {  	[dreg:$0x0] =	wrdreg $0x60  }
0xae: {  	[dreg:$0x2] =	wrdreg s24  }
0xaf: {  	[dreg:$0x3] =	wrdreg $0x90000  }
0xb0: {  	[dreg:$0x4] =	wrdreg $0x9  }
0xb1: {  	_ =	task.clear_ibuf [dreg:s6], $0x5FFFF;
	_ =	strace $0x90000052  }
0xb2: {  	s29 =	simm.s32 $0x9;
	_ =	strace $0x80000054  }
0xb3: {  	_ =	swait.ge [sflag:s29], $0x1  }
0xb4: {  	[sflag:s29] =	ssyncadd.s32 $0xFFFFFFFF  }
0xb5: {  	_ =	strace $0x90000054  }
0xb6: {  	_ =	sfence  }
0xb7: {  	s30 =	sld [smem:$0x0];
	_ =	sdelay $0x2  }
0xb8: {  	s31 =	sshll.u32 s1, $0xD;
	s1 =	sshrl.u32 s1, $0x2  }
0xb9: {  	s3 =	sand.u32 $0x4000, s31;
	s1 =	sadd.s32 s1, s30  }
0xba: {  	s0 =	sor.u32 s3, s0;
	s1 =	sshll.u32 s1, $0x11  }
0xbb: {  	s0 =	sor.u32 s1, s0  }
0xbc: {  	s0 =	sadd.s32 $0x8F2B, s0  }
0xbd: {  	[sflag:s0] =	ssyncadd.remote.s32 $0x1  }
0xbe: {  	_ =	sfence.sel $0xFFFF  }
0xbf: {  	[dreg:$0x0] =	wrdreg $0xFFFFFFFF;
	(pc) =	sbr.abs _section_cstart, $3  }
0xc0: {  	[dreg:$0x1] =	wrdreg $0xFFFFFFFF  }
0xc1: {  	_ =	task.clear_ibuf [dreg:s6], $0x2FFFF;
	_ =	strace $0x9FFFFFFF  }
0xc2: {  	(tm) =	ssettm $0x7FFFFFFF  }
0xc3: {  	_ =	shalt  }
tec
execute0_lowered:
.L_overlay_start_1:
0x0: {  	(tag) =	ssettag $0x1  }
0x1: {  	s7 =	rddreg [dreg:$0x0]  }
0x2: {  	s0 =	srdreg.scid;
	s2 =	rddreg [dreg:$0x1]  }
0x3: {  	s3 =	simm.s32 $0x0;
	s14 =	simm.s32 $0x80;
	s15 =	simm.s32 $0x5000  }
0x4: {  	s16 =	simm.s32 $0x1;
	s6 =	sand.u32 $0x1, s0;
	s0 =	stileid.u32  }
0x5: {  	s17 =	simm.s32 $0x0;
	[smem:$0x7FF] =	sst s3;
	s8 =	smul.u32 $0x13C000, s6  }
0x6: {  	s4 =	sadd.s32 $0x6400, s7;
	s1 =	sshll.u32 s6, $0x4;
	s9 =	smul.u32 $0x13C00, s0  }
0x7: {  	s28 =	smul.u32 $0x4F000, s0;
	s6 =	ssub.s32 $0x2, s6;
	s1 =	sor.u32 s0, s1  }
0x8: {  	s31 =	sshll.u32 s0, $0x6;
	s29 =	sshrl.u32 s6, $0x1;
	s5 =	smul.u32 $0x500, s1  }
0x9: {  	s1 =	rddreg [dreg:$0x2];
	_ =	strace $0x80000053;
	s8 =	sadd.s32 s9, s8  }
0xa: {  	s30 =	sshrl.u32 s28, $0x2;
	s12 =	ssub.s32 s6, s29;
	s6 =	sor.u32 $0x1C02, s31  }
0xb: {  	s8 =	sshrl.u32 s8, $0x3;
	s13 =	sadd.s32 s30, s2;
	s10 =	sadd.s32 s5, s7  }
0xc: {  	s5 =	sadd.s32 $0x3C00, s7;
	s11 =	sadd.s32 s8, s7;
	s7 =	sadd.s32 $0x55C00, s10  }
0xd: {  	s8 =	sadd.s32 $0x5FC00, s10;
	s9 =	sadd.s32 $0x69C00, s11;
	s10 =	smax.u32 s12, $0x1  }
0xe: {  	s11 =	sshrl.u32 s13, $0x3;
	s12 =	simm.s32 $0x2;
	s13 =	simm.s32 $0x2800  }
.LBB2_1:
0xf: {  	[spmem:s11], [sflag:s6] =	dma.local [hbm:s5], $0x2780  }
0x10: {  	_ =	swait.ge [sflag:s12], $0x2780  }
0x11: {  	[sflag:s12] =	ssyncset.done $0x0  }
0x12: {  	[sflag:s12] =	ssyncadd.s32 $0xFFFFD880  }
0x13: {  	[tilespmem:s3], [sflag:$0x2] =	stream.linear.gather [hbm4b:s7+s3], $0x2800, $0x38;
	[tilespmem:$0x1CC00] =	vst v63  }
0x14: {  	_ =	swait.ge [sflag:s12], $0x2800  }
0x15: {  	[sflag:s12] =	ssyncset.done $0x0  }
0x16: {  	[sflag:s12] =	ssyncadd.s32 $0xFFFFD800  }
0x17: {  	[tilespmem:s13], [sflag:$0x2] =	stream.linear.gather [hbm4b:s8+s3], $0x2800, $0x38;
	[tilespmem:$0x1CC00] =	vst v63  }
0x18: {  	_ =	swait.ge [sflag:s12], $0x2800  }
0x19: {  	[sflag:s12] =	ssyncset.done $0x0  }
0x1a: {  	[sflag:s12] =	ssyncadd.s32 $0xFFFFD800  }
0x1b: {  	s18 =	simm.s32 $0x0;
	[bflag:$0x0] =	sbarrier.arrive $0xFFFF  }
0x1c: {  	[tilespmem:s15], [sflag:$0x1] =	stream.indirect.gather [hbm4b:s4+s14], $0x80, s18, s14, $0xb8;
	[tilespmem:$0x1CC00] =	vst v63  }
0x1d: {  	_ =	swait.ge [sflag:s16], $0x4000  }
0x1e: {  	[sflag:s16] =	ssyncset.done $0x0  }
0x1f: {  	s31 =	simm.s32 $0x2800;
	[sflag:s16] =	ssyncadd.s32 $0xFFFFC000  }
0x20: {  	[spmem:s2] =	stream.indirect.scatter.add.f32 [tilespmem:s15], [sflag:$0x2], $0x80, s31, s14, $0xb8;
	[tilespmem:$0x1CC00] =	vst v63  }
0x21: {  	_ =	swait.ge [sflag:s12], $0x4000  }
0x22: {  	s19 =	simm.s32 $0x400;
	s18 =	simm.s32 $0x200;
	[sflag:s12] =	ssyncset.done $0x0  }
.LBB2_2:
0x23: {  	s20 =	sshra.s32 s18, $0x2  }
0x24: {  	[sflag:s12] =	ssyncadd.s32 $0xFFFFC000;
	s18 =	smov.u32 s19;
	s21 =	sadd.s32 $0x200, s19  }
0x25: {  	[tilespmem:s15], [sflag:$0x1] =	stream.indirect.gather [hbm4b:s4+s14], $0x80, s20, s14, $0xb8;
	[tilespmem:$0x1CC00] =	vst v63  }
0x26: {  	p0 =	sne.s32 s19, $0x9E00;
	_ =	swait.ge [sflag:s16], $0x4000  }
.Ltmp0:
0x27: {  	[sflag:s16] =	ssyncset.done $0x0;
	(pc) =	sbr.rel @p0 .LBB2_2-.Ltmp0, $4  }
0x28: {  	s19 =	sadd.s32 $0x2800, s20;
	[sflag:s16] =	ssyncadd.s32 $0xFFFFC000  }
0x29: {  	[spmem:s2] =	stream.indirect.scatter.add.f32 [tilespmem:s15], [sflag:$0x2], $0x80, s19, s14, $0xb8;
	[tilespmem:$0x1CC00] =	vst v63  }
0x2a: {  	_ =	swait.ge [sflag:s12], $0x4000  }
0x2b: {  	s19 =	smov.u32 s21;
	[sflag:s12] =	ssyncset.done $0x0  }
0x2c: {  	s18 =	sshra.s32 s18, $0x2;
	[sflag:s12] =	ssyncadd.s32 $0xFFFFC000  }
0x2d: {  	[tilespmem:s15], [sflag:$0x1] =	stream.indirect.gather [hbm4b:s4+s14], $0x80, s18, s14, $0xb8;
	[tilespmem:$0x1CC00] =	vst v63  }
0x2e: {  	_ =	swait.ge [sflag:s16], $0x4000  }
0x2f: {  	[sflag:s16] =	ssyncset.done $0x0  }
0x30: {  	s18 =	sadd.s32 $0x2800, s18;
	[sflag:s16] =	ssyncadd.s32 $0xFFFFC000  }
0x31: {  	[spmem:s2] =	stream.indirect.scatter.add.f32 [tilespmem:s15], [sflag:$0x2], $0x80, s18, s14, $0xb8;
	[tilespmem:$0x1CC00] =	vst v63  }
0x32: {  	_ =	swait.ge [sflag:s12], $0x4000  }
0x33: {  	s17 =	sadd.s32 $0x1, s17;
	[sflag:s12] =	ssyncset.done $0x0  }
0x34: {  	p0 =	sne.s32 s17, s10;
	[sflag:s12] =	ssyncadd.s32 $0xFFFFC000  }
.Ltmp1:
0x35: {  	[bflag:$0x0] =	sbarrier.arrive $0xFFFF;
	(pc) =	sbr.rel @p0 .LBB2_1-.Ltmp1, $4  }
0x36: {  	[hbm:s9], [sflag:s6] =	dma.local [spmem:s11], $0x2780  }
0x37: {  	_ =	swait.ge [sflag:s12], $0x2780  }
0x38: {  	[sflag:s12] =	ssyncset.done $0x0  }
0x39: {  	[sflag:s12] =	ssyncadd.s32 $0xFFFFD880  }
0x3a: {  	_ =	sfence.sel $0x180000  }
0x3b: {  	[bflag:$0x0] =	sbarrier.arrive $0xFFFF  }
0x3c: {  	p0 =	sne.s32 s0, $0x0;
	_ =	strace $0x90000053  }
0x3d: {  	s0 =	sadd.s32 @!p0 $0x100000, s1;
	[bflag:$0x2] =	sbarrier.arrive $0xFFFF  }
0x3e: {  	[sflag:s0] =	ssyncadd.tile.s32 @!p0 $0x1;
	_ =	shalt  }
.Lfunc_end2:
_tile_overlayer_lowered:
.L_overlay_start_2:
0x3f: {  	(tag) =	ssettag $0x2  }
0x40: {  	s0 =	rddreg [dreg:$0x0];
	s2 =	stileid.u32  }
0x41: {  	s1 =	rddreg [dreg:$0x1];
	p0 =	sne.s32 s2, $0x0  }
0x42: {  	s3 =	rddreg [dreg:$0x2];
	[bflag:$0x3] =	sbarrier.arrive $0xFFFF;
	s2 =	simm.s32 @!p0 $0x1C02  }
0x43: {  	[timem:s3], [sflag:s2] =	dma.local @!p0 [hbm:s0], s1  }
0x44: {  	s0 =	simm.s32 @!p0 $0x2  }
0x45: {  	_ =	swait.ge @!p0 [sflag:s0], s1  }
0x46: {  	s1 =	ssub.s32 @!p0 $0x0, s1;
	[sflag:s0] =	ssyncset.done @!p0 $0x0  }
0x47: {  	[sflag:s0] =	ssyncadd.s32 @!p0 s1  }
0x48: {  	[bflag:$0x3] =	sbarrier.arrive $0xFFFF  }
0x49: {  	_ =	shalt  }

</sc_bundles>
